<compile_context>
chip_gen: v7x
topology: tpu7x:2x2x1
jax: 0.10.2.dev20260603
libtpu: 0.0.44.dev20260713+nightly
codegen_flags: <defaults>
</compile_context>

<pallas_src>
import functools

import jax
import jax.numpy as jnp
from jax import lax
from jax.experimental import pallas as pl
from jax.experimental.pallas import tpu as pltpu
from jax.experimental.pallas import tpu_sc as plsc

_DIM = 2048
_NE = 8
_TOPK = 2
_BLK = 1024
_LANES = 16


def _matmul_body(x_ref, w_ref, st_ref):
    st_ref[...] = jax.lax.dot_general(
        w_ref[...], x_ref[...],
        (((1,), (1,)), ((), ())),
        preferred_element_type=jnp.float32,
    )


def _tc_scores(x, W):
    T = x.shape[0]
    return pl.pallas_call(
        _matmul_body,
        grid=(T // _BLK,),
        in_specs=[
            pl.BlockSpec((_BLK, _DIM), lambda i: (i, 0)),
            pl.BlockSpec((_NE, _DIM), lambda i: (0, 0)),
        ],
        out_specs=pl.BlockSpec((_NE, _BLK), lambda i: (0, i)),
        out_shape=jax.ShapeDtypeStruct((_NE, T), jnp.float32),
    )(x, W)


def _make_sc_router(T):
    info = plsc.get_sparse_core_info()
    nw = info.num_cores * info.num_subcores
    chunk = T // nw
    mesh = plsc.VectorSubcoreMesh(core_axis_name="c", subcore_axis_name="s")

    @functools.partial(
        pl.kernel,
        mesh=mesh,
        out_type=[
            jax.ShapeDtypeStruct((_TOPK, T), jnp.int32),
            jax.ShapeDtypeStruct((_TOPK, T), jnp.float32),
        ],
        scratch_types=[
            pltpu.VMEM((_NE, chunk), jnp.float32),
            pltpu.VMEM((_TOPK, chunk), jnp.int32),
            pltpu.VMEM((_TOPK, chunk), jnp.float32),
        ],
    )
    def sc_router(st_hbm, idx_hbm, wgt_hbm, s_v, i_v, w_v):
        wid = lax.axis_index("s") * info.num_cores + lax.axis_index("c")
        base = wid * chunk
        pltpu.sync_copy(st_hbm.at[:, pl.ds(base, chunk)], s_v)

        ninf = jnp.full((_LANES,), -jnp.inf, jnp.float32)
        zero = jnp.zeros((_LANES,), jnp.int32)

        def _group(off):
            s = [s_v[e, pl.ds(off, _LANES)] for e in range(_NE)]
            def _tree(vals, op):
                while len(vals) > 1:
                    vals = [op(vals[i], vals[i + 1])
                            for i in range(0, len(vals), 2)]
                return vals[0]
            m = _tree(list(s), jnp.maximum)
            ex = [jnp.exp(se - m) for se in s]
            z = _tree(list(ex), lambda a, b: a + b)
            p1 = ex[0] / z
            i1 = zero
            w1 = s[0]
            p2 = ninf
            i2 = zero
            w2 = ninf
            for e in range(1, _NE):
                pe = ex[e] / z
                ei = jnp.full((_LANES,), e, jnp.int32)
                gt1 = pe > p1
                gt2 = pe > p2
                p2 = jnp.where(gt1, p1, jnp.where(gt2, pe, p2))
                i2 = jnp.where(gt1, i1, jnp.where(gt2, ei, i2))
                w2 = jnp.where(gt1, w1, jnp.where(gt2, s[e], w2))
                p1 = jnp.where(gt1, pe, p1)
                i1 = jnp.where(gt1, ei, i1)
                w1 = jnp.where(gt1, s[e], w1)
            i_v[0, pl.ds(off, _LANES)] = i1
            i_v[1, pl.ds(off, _LANES)] = i2
            w_v[0, pl.ds(off, _LANES)] = w1
            w_v[1, pl.ds(off, _LANES)] = w2

        unroll = 4

        def step(j, _):
            for k in range(unroll):
                _group(j * (_LANES * unroll) + k * _LANES)
            return 0

        lax.fori_loop(0, chunk // (_LANES * unroll), step, 0)
        pltpu.sync_copy(i_v, idx_hbm.at[:, pl.ds(base, chunk)])
        pltpu.sync_copy(w_v, wgt_hbm.at[:, pl.ds(base, chunk)])

    return sc_router


@jax.jit
def kernel(x, W):
    T = x.shape[0]
    st = _tc_scores(x, W)
    idx_t, wgt_t = _make_sc_router(T)(st)
    return idx_t.T, wgt_t.T

# --- scband reference (transcript-rebuilt; emitter-appended) ---
"""Pipeline reference for scband-gate-12103217840540 (READ-ONLY COPY).

The authoritative reference and input builder live on the scoring server;
editing this copy changes nothing except your own understanding.
"""

import jax, jax.numpy as jnp
import numpy as np

DIM = 2048
N_EXPERTS = 8
TOP_K = 2
ROUTE_SCALE = 1.0
T = 32768


def setup_inputs(seed: int = 0) -> dict:
    key = jax.random.key(seed)
    kx, kw = jax.random.split(key)
    x = jax.random.normal(kx, (T, DIM), dtype=jnp.float32)
    # router weight, torch Linear layout: [out_features, in_features]
    W = jax.random.normal(kw, (N_EXPERTS, DIM), dtype=jnp.float32) * (1.0 / np.sqrt(DIM))
    return {"x": x, "W": W}


def reference(x, W):
    # scores = F.linear(x, W)  (no bias)
    scores = jnp.dot(x, W.T)
    original_scores = scores
    # softmax in float32
    probs = jax.nn.softmax(scores.astype(jnp.float32), axis=-1)
    # top-k over softmax scores, take indices
    _, indices = jax.lax.top_k(probs, TOP_K)
    # gather weights from ORIGINAL (pre-softmax) scores, as in the torch module
    weights = jnp.take_along_axis(original_scores, indices, axis=-1)
    weights = weights * ROUTE_SCALE
    return (indices, weights)

if __name__ == "__main__":
    import jax
    _d = setup_inputs()
    print(jax.jit(kernel)(*tuple(_d.values())))

</pallas_src>

<mosaic_0001>
#map = affine_map<(d0, d1) -> (0, 0)>
module attributes {stable_mosaic.version = 14 : i64} {
  func.func @sc_router(%arg0: i32, %arg1: i32, %arg2: memref<8x32768xf32, #tpu.memory_space<hbm>>, %arg3: memref<2x32768xi32, #tpu.memory_space<hbm>>, %arg4: memref<2x32768xf32, #tpu.memory_space<hbm>>, %arg5: memref<8x1024xf32, #tpu.memory_space<vmem>>, %arg6: memref<2x1024xi32, #tpu.memory_space<vmem>>, %arg7: memref<2x1024xf32, #tpu.memory_space<vmem>>) attributes {dimension_semantics = [#tpu.dimension_semantics<core_parallel>, #tpu.dimension_semantics<subcore_parallel>], iteration_bounds = array<i64: 2, 16>, scalar_prefetch = 0 : i64, scratch_operands = 3 : i64, tpu.core_type = #tpu.core_type<sc_vector_subcore>, window_params = [{transform_indices = #map}, {transform_indices = #map}, {transform_indices = #map}]} {
    %mul3A = arith.constant 2 : i32
    %mul3A_0 = arith.muli %arg1, %mul3A : i32
    %add3A = arith.addi %mul3A_0, %arg0 : i32
    %mul3A_1 = arith.constant 1024 : i32
    %mul3A_2 = arith.muli %add3A, %mul3A_1 : i32
    "tpu.region"() ({
      %run_scoped3A = tpu.sem_alloc : memref<!tpu.dma_semaphore, #tpu.memory_space<semaphore_mem>>
      %dma_start3A = arith.constant 0 : i32
      %dma_start3A_12 = tpu.memref_slice %arg2[%dma_start3A, %mul3A_2] : memref<8x32768xf32, #tpu.memory_space<hbm>> -> memref<8x1024xf32, #tpu.memory_space<hbm>>
      %dma_start3A_13 = arith.constant 0 : i32
      %dma_start3A_14 = tpu.memref_slice %arg2[%dma_start3A_13, %mul3A_2] : memref<8x32768xf32, #tpu.memory_space<hbm>> -> memref<8x1024xf32, #tpu.memory_space<hbm>>
      tpu.enqueue_dma source(%dma_start3A_14 : memref<8x1024xf32, #tpu.memory_space<hbm>>) target(%arg5 : memref<8x1024xf32, #tpu.memory_space<vmem>>) target_semaphore(%run_scoped3A : memref<!tpu.dma_semaphore, #tpu.memory_space<semaphore_mem>>)
      %dma_wait3A = arith.constant 0 : i32
      %dma_wait3A_15 = tpu.memref_slice %arg2[%dma_wait3A, %mul3A_2] : memref<8x32768xf32, #tpu.memory_space<hbm>> -> memref<8x1024xf32, #tpu.memory_space<hbm>>
      %dma_wait3A_16 = arith.constant 0 : i32
      %dma_wait3A_17 = tpu.memref_slice %arg2[%dma_wait3A_16, %mul3A_2] : memref<8x32768xf32, #tpu.memory_space<hbm>> -> memref<8x1024xf32, #tpu.memory_space<hbm>>
      tpu.wait_dma2 semaphore(%run_scoped3A : memref<!tpu.dma_semaphore, #tpu.memory_space<semaphore_mem>>) src(%dma_wait3A_17 : memref<8x1024xf32, #tpu.memory_space<hbm>>) dst(%arg5 : memref<8x1024xf32, #tpu.memory_space<vmem>>)
      tpu.yield
    }) : () -> ()
    %broadcast_in_dim3A = arith.constant 0xFF800000 : f32
    %broadcast_in_dim3A_3 = vector.broadcast %broadcast_in_dim3A : f32 to vector<16xf32>
    %broadcast_in_dim3A_4 = arith.constant 0 : i32
    %broadcast_in_dim3A_5 = vector.broadcast %broadcast_in_dim3A_4 : i32 to vector<16xi32>
    %scan3A = arith.constant 0 : i32
    %scan3A_6 = arith.constant 0 : i32
    %scan3A_7 = arith.constant 16 : i32
    %scan3A_8 = arith.addi %scan3A_6, %scan3A_7 : i32
    %scan3A_9 = arith.constant 1 : i32
    %scan3A_10 = scf.for %scan3A_12 = %scan3A_6 to %scan3A_8 step %scan3A_9 iter_args(%scan3A_13 = %scan3A) -> (i32)  : i32 {
      %mul3A_14 = arith.constant 64 : i32
      %mul3A_15 = arith.muli %scan3A_12, %mul3A_14 : i32
      %add3A_16 = arith.constant 0 : i32
      %add3A_17 = arith.addi %mul3A_15, %add3A_16 : i32
      %get3A = arith.constant 0 : i32
      %get3A_18 = arith.index_cast %get3A : i32 to index
      %get3A_19 = arith.index_cast %add3A_17 : i32 to index
      %get3A_20 = tpu.vector_load %arg5[%get3A_18, %get3A_19] {strides = array<i32>} : memref<8x1024xf32, #tpu.memory_space<vmem>>, vector<1x16xf32>,
      %get3A_21 = vector.shape_cast %get3A_20 : vector<1x16xf32> to vector<16xf32>
      %get3A_22 = arith.constant 1 : i32
      %get3A_23 = arith.index_cast %get3A_22 : i32 to index
      %get3A_24 = arith.index_cast %add3A_17 : i32 to index
      %get3A_25 = tpu.vector_load %arg5[%get3A_23, %get3A_24] {strides = array<i32>} : memref<8x1024xf32, #tpu.memory_space<vmem>>, vector<1x16xf32>,
      %get3A_26 = vector.shape_cast %get3A_25 : vector<1x16xf32> to vector<16xf32>
      %get3A_27 = arith.constant 2 : i32
      %get3A_28 = arith.index_cast %get3A_27 : i32 to index
      %get3A_29 = arith.index_cast %add3A_17 : i32 to index
      %get3A_30 = tpu.vector_load %arg5[%get3A_28, %get3A_29] {strides = array<i32>} : memref<8x1024xf32, #tpu.memory_space<vmem>>, vector<1x16xf32>,
      %get3A_31 = vector.shape_cast %get3A_30 : vector<1x16xf32> to vector<16xf32>
      %get3A_32 = arith.constant 3 : i32
      %get3A_33 = arith.index_cast %get3A_32 : i32 to index
      %get3A_34 = arith.index_cast %add3A_17 : i32 to index
      %get3A_35 = tpu.vector_load %arg5[%get3A_33, %get3A_34] {strides = array<i32>} : memref<8x1024xf32, #tpu.memory_space<vmem>>, vector<1x16xf32>,
      %get3A_36 = vector.shape_cast %get3A_35 : vector<1x16xf32> to vector<16xf32>
      %get3A_37 = arith.constant 4 : i32
      %get3A_38 = arith.index_cast %get3A_37 : i32 to index
      %get3A_39 = arith.index_cast %add3A_17 : i32 to index
      %get3A_40 = tpu.vector_load %arg5[%get3A_38, %get3A_39] {strides = array<i32>} : memref<8x1024xf32, #tpu.memory_space<vmem>>, vector<1x16xf32>,
      %get3A_41 = vector.shape_cast %get3A_40 : vector<1x16xf32> to vector<16xf32>
      %get3A_42 = arith.constant 5 : i32
      %get3A_43 = arith.index_cast %get3A_42 : i32 to index
      %get3A_44 = arith.index_cast %add3A_17 : i32 to index
      %get3A_45 = tpu.vector_load %arg5[%get3A_43, %get3A_44] {strides = array<i32>} : memref<8x1024xf32, #tpu.memory_space<vmem>>, vector<1x16xf32>,
      %get3A_46 = vector.shape_cast %get3A_45 : vector<1x16xf32> to vector<16xf32>
      %get3A_47 = arith.constant 6 : i32
      %get3A_48 = arith.index_cast %get3A_47 : i32 to index
      %get3A_49 = arith.index_cast %add3A_17 : i32 to index
      %get3A_50 = tpu.vector_load %arg5[%get3A_48, %get3A_49] {strides = array<i32>} : memref<8x1024xf32, #tpu.memory_space<vmem>>, vector<1x16xf32>,
      %get3A_51 = vector.shape_cast %get3A_50 : vector<1x16xf32> to vector<16xf32>
      %get3A_52 = arith.constant 7 : i32
      %get3A_53 = arith.index_cast %get3A_52 : i32 to index
      %get3A_54 = arith.index_cast %add3A_17 : i32 to index
      %get3A_55 = tpu.vector_load %arg5[%get3A_53, %get3A_54] {strides = array<i32>} : memref<8x1024xf32, #tpu.memory_space<vmem>>, vector<1x16xf32>,
      %get3A_56 = vector.shape_cast %get3A_55 : vector<1x16xf32> to vector<16xf32>
      %max3A = arith.maximumf %get3A_21, %get3A_26 : vector<16xf32>
      %max3A_57 = arith.maximumf %get3A_31, %get3A_36 : vector<16xf32>
      %max3A_58 = arith.maximumf %get3A_41, %get3A_46 : vector<16xf32>
      %max3A_59 = arith.maximumf %get3A_51, %get3A_56 : vector<16xf32>
      %max3A_60 = arith.maximumf %max3A, %max3A_57 : vector<16xf32>
      %max3A_61 = arith.maximumf %max3A_58, %max3A_59 : vector<16xf32>
      %max3A_62 = arith.maximumf %max3A_60, %max3A_61 : vector<16xf32>
      %sub3A = arith.subf %get3A_21, %max3A_62 : vector<16xf32>
      %exp3A = math.exp %sub3A : vector<16xf32>
      %sub3A_63 = arith.subf %get3A_26, %max3A_62 : vector<16xf32>
      %exp3A_64 = math.exp %sub3A_63 : vector<16xf32>
      %sub3A_65 = arith.subf %get3A_31, %max3A_62 : vector<16xf32>
      %exp3A_66 = math.exp %sub3A_65 : vector<16xf32>
      %sub3A_67 = arith.subf %get3A_36, %max3A_62 : vector<16xf32>
      %exp3A_68 = math.exp %sub3A_67 : vector<16xf32>
      %sub3A_69 = arith.subf %get3A_41, %max3A_62 : vector<16xf32>
      %exp3A_70 = math.exp %sub3A_69 : vector<16xf32>
      %sub3A_71 = arith.subf %get3A_46, %max3A_62 : vector<16xf32>
      %exp3A_72 = math.exp %sub3A_71 : vector<16xf32>
      %sub3A_73 = arith.subf %get3A_51, %max3A_62 : vector<16xf32>
      %exp3A_74 = math.exp %sub3A_73 : vector<16xf32>
      %sub3A_75 = arith.subf %get3A_56, %max3A_62 : vector<16xf32>
      %exp3A_76 = math.exp %sub3A_75 : vector<16xf32>
      %add3A_77 = arith.addf %exp3A, %exp3A_64 : vector<16xf32>
      %add3A_78 = arith.addf %exp3A_66, %exp3A_68 : vector<16xf32>
      %add3A_79 = arith.addf %exp3A_70, %exp3A_72 : vector<16xf32>
      %add3A_80 = arith.addf %exp3A_74, %exp3A_76 : vector<16xf32>
      %add3A_81 = arith.addf %add3A_77, %add3A_78 : vector<16xf32>
      %add3A_82 = arith.addf %add3A_79, %add3A_80 : vector<16xf32>
      %add3A_83 = arith.addf %add3A_81, %add3A_82 : vector<16xf32>
      %div3A = arith.divf %exp3A, %add3A_83 : vector<16xf32>
      %div3A_84 = arith.divf %exp3A_64, %add3A_83 : vector<16xf32>
      %broadcast_in_dim3A_85 = arith.constant 1 : i32
      %broadcast_in_dim3A_86 = vector.broadcast %broadcast_in_dim3A_85 : i32 to vector<16xi32>
      %gt3A = arith.cmpf ogt, %div3A_84, %div3A : vector<16xf32>
      %gt3A_87 = arith.cmpf ogt, %div3A_84, %broadcast_in_dim3A_3 : vector<16xf32>
      %select_n3A = arith.select %gt3A_87, %div3A_84, %broadcast_in_dim3A_3 : vector<16xi1>, vector<16xf32>
      %select_n3A_88 = arith.select %gt3A, %div3A, %select_n3A : vector<16xi1>, vector<16xf32>
      %select_n3A_89 = arith.select %gt3A_87, %broadcast_in_dim3A_86, %broadcast_in_dim3A_5 : vector<16xi1>, vector<16xi32>
      %select_n3A_90 = arith.select %gt3A, %broadcast_in_dim3A_5, %select_n3A_89 : vector<16xi1>, vector<16xi32>
      %select_n3A_91 = arith.select %gt3A_87, %get3A_26, %broadcast_in_dim3A_3 : vector<16xi1>, vector<16xf32>
      %select_n3A_92 = arith.select %gt3A, %get3A_21, %select_n3A_91 : vector<16xi1>, vector<16xf32>
      %select_n3A_93 = arith.select %gt3A, %div3A_84, %div3A : vector<16xi1>, vector<16xf32>
      %select_n3A_94 = arith.select %gt3A, %broadcast_in_dim3A_86, %broadcast_in_dim3A_5 : vector<16xi1>, vector<16xi32>
      %select_n3A_95 = arith.select %gt3A, %get3A_26, %get3A_21 : vector<16xi1>, vector<16xf32>
      %div3A_96 = arith.divf %exp3A_66, %add3A_83 : vector<16xf32>
      %broadcast_in_dim3A_97 = arith.constant 2 : i32
      %broadcast_in_dim3A_98 = vector.broadcast %broadcast_in_dim3A_97 : i32 to vector<16xi32>
      %gt3A_99 = arith.cmpf ogt, %div3A_96, %select_n3A_93 : vector<16xf32>
      %gt3A_100 = arith.cmpf ogt, %div3A_96, %select_n3A_88 : vector<16xf32>
      %select_n3A_101 = arith.select %gt3A_100, %div3A_96, %select_n3A_88 : vector<16xi1>, vector<16xf32>
      %select_n3A_102 = arith.select %gt3A_99, %select_n3A_93, %select_n3A_101 : vector<16xi1>, vector<16xf32>
      %select_n3A_103 = arith.select %gt3A_100, %broadcast_in_dim3A_98, %select_n3A_90 : vector<16xi1>, vector<16xi32>
      %select_n3A_104 = arith.select %gt3A_99, %select_n3A_94, %select_n3A_103 : vector<16xi1>, vector<16xi32>
      %select_n3A_105 = arith.select %gt3A_100, %get3A_31, %select_n3A_92 : vector<16xi1>, vector<16xf32>
      %select_n3A_106 = arith.select %gt3A_99, %select_n3A_95, %select_n3A_105 : vector<16xi1>, vector<16xf32>
      %select_n3A_107 = arith.select %gt3A_99, %div3A_96, %select_n3A_93 : vector<16xi1>, vector<16xf32>
      %select_n3A_108 = arith.select %gt3A_99, %broadcast_in_dim3A_98, %select_n3A_94 : vector<16xi1>, vector<16xi32>
      %select_n3A_109 = arith.select %gt3A_99, %get3A_31, %select_n3A_95 : vector<16xi1>, vector<16xf32>
      %div3A_110 = arith.divf %exp3A_68, %add3A_83 : vector<16xf32>
      %broadcast_in_dim3A_111 = arith.constant 3 : i32
      %broadcast_in_dim3A_112 = vector.broadcast %broadcast_in_dim3A_111 : i32 to vector<16xi32>
      %gt3A_113 = arith.cmpf ogt, %div3A_110, %select_n3A_107 : vector<16xf32>
      %gt3A_114 = arith.cmpf ogt, %div3A_110, %select_n3A_102 : vector<16xf32>
      %select_n3A_115 = arith.select %gt3A_114, %div3A_110, %select_n3A_102 : vector<16xi1>, vector<16xf32>
      %select_n3A_116 = arith.select %gt3A_113, %select_n3A_107, %select_n3A_115 : vector<16xi1>, vector<16xf32>
      %select_n3A_117 = arith.select %gt3A_114, %broadcast_in_dim3A_112, %select_n3A_104 : vector<16xi1>, vector<16xi32>
      %select_n3A_118 = arith.select %gt3A_113, %select_n3A_108, %select_n3A_117 : vector<16xi1>, vector<16xi32>
      %select_n3A_119 = arith.select %gt3A_114, %get3A_36, %select_n3A_106 : vector<16xi1>, vector<16xf32>
      %select_n3A_120 = arith.select %gt3A_113, %select_n3A_109, %select_n3A_119 : vector<16xi1>, vector<16xf32>
      %select_n3A_121 = arith.select %gt3A_113, %div3A_110, %select_n3A_107 : vector<16xi1>, vector<16xf32>
      %select_n3A_122 = arith.select %gt3A_113, %broadcast_in_dim3A_112, %select_n3A_108 : vector<16xi1>, vector<16xi32>
      %select_n3A_123 = arith.select %gt3A_113, %get3A_36, %select_n3A_109 : vector<16xi1>, vector<16xf32>
      %div3A_124 = arith.divf %exp3A_70, %add3A_83 : vector<16xf32>
      %broadcast_in_dim3A_125 = arith.constant 4 : i32
      %broadcast_in_dim3A_126 = vector.broadcast %broadcast_in_dim3A_125 : i32 to vector<16xi32>
      %gt3A_127 = arith.cmpf ogt, %div3A_124, %select_n3A_121 : vector<16xf32>
      %gt3A_128 = arith.cmpf ogt, %div3A_124, %select_n3A_116 : vector<16xf32>
      %select_n3A_129 = arith.select %gt3A_128, %div3A_124, %select_n3A_116 : vector<16xi1>, vector<16xf32>
      %select_n3A_130 = arith.select %gt3A_127, %select_n3A_121, %select_n3A_129 : vector<16xi1>, vector<16xf32>
      %select_n3A_131 = arith.select %gt3A_128, %broadcast_in_dim3A_126, %select_n3A_118 : vector<16xi1>, vector<16xi32>
      %select_n3A_132 = arith.select %gt3A_127, %select_n3A_122, %select_n3A_131 : vector<16xi1>, vector<16xi32>
      %select_n3A_133 = arith.select %gt3A_128, %get3A_41, %select_n3A_120 : vector<16xi1>, vector<16xf32>
      %select_n3A_134 = arith.select %gt3A_127, %select_n3A_123, %select_n3A_133 : vector<16xi1>, vector<16xf32>
      %select_n3A_135 = arith.select %gt3A_127, %div3A_124, %select_n3A_121 : vector<16xi1>, vector<16xf32>
      %select_n3A_136 = arith.select %gt3A_127, %broadcast_in_dim3A_126, %select_n3A_122 : vector<16xi1>, vector<16xi32>
      %select_n3A_137 = arith.select %gt3A_127, %get3A_41, %select_n3A_123 : vector<16xi1>, vector<16xf32>
      %div3A_138 = arith.divf %exp3A_72, %add3A_83 : vector<16xf32>
      %broadcast_in_dim3A_139 = arith.constant 5 : i32
      %broadcast_in_dim3A_140 = vector.broadcast %broadcast_in_dim3A_139 : i32 to vector<16xi32>
      %gt3A_141 = arith.cmpf ogt, %div3A_138, %select_n3A_135 : vector<16xf32>
      %gt3A_142 = arith.cmpf ogt, %div3A_138, %select_n3A_130 : vector<16xf32>
      %select_n3A_143 = arith.select %gt3A_142, %div3A_138, %select_n3A_130 : vector<16xi1>, vector<16xf32>
      %select_n3A_144 = arith.select %gt3A_141, %select_n3A_135, %select_n3A_143 : vector<16xi1>, vector<16xf32>
      %select_n3A_145 = arith.select %gt3A_142, %broadcast_in_dim3A_140, %select_n3A_132 : vector<16xi1>, vector<16xi32>
      %select_n3A_146 = arith.select %gt3A_141, %select_n3A_136, %select_n3A_145 : vector<16xi1>, vector<16xi32>
      %select_n3A_147 = arith.select %gt3A_142, %get3A_46, %select_n3A_134 : vector<16xi1>, vector<16xf32>
      %select_n3A_148 = arith.select %gt3A_141, %select_n3A_137, %select_n3A_147 : vector<16xi1>, vector<16xf32>
      %select_n3A_149 = arith.select %gt3A_141, %div3A_138, %select_n3A_135 : vector<16xi1>, vector<16xf32>
      %select_n3A_150 = arith.select %gt3A_141, %broadcast_in_dim3A_140, %select_n3A_136 : vector<16xi1>, vector<16xi32>
      %select_n3A_151 = arith.select %gt3A_141, %get3A_46, %select_n3A_137 : vector<16xi1>, vector<16xf32>
      %div3A_152 = arith.divf %exp3A_74, %add3A_83 : vector<16xf32>
      %broadcast_in_dim3A_153 = arith.constant 6 : i32
      %broadcast_in_dim3A_154 = vector.broadcast %broadcast_in_dim3A_153 : i32 to vector<16xi32>
      %gt3A_155 = arith.cmpf ogt, %div3A_152, %select_n3A_149 : vector<16xf32>
      %gt3A_156 = arith.cmpf ogt, %div3A_152, %select_n3A_144 : vector<16xf32>
      %select_n3A_157 = arith.select %gt3A_156, %div3A_152, %select_n3A_144 : vector<16xi1>, vector<16xf32>
      %select_n3A_158 = arith.select %gt3A_155, %select_n3A_149, %select_n3A_157 : vector<16xi1>, vector<16xf32>
      %select_n3A_159 = arith.select %gt3A_156, %broadcast_in_dim3A_154, %select_n3A_146 : vector<16xi1>, vector<16xi32>
      %select_n3A_160 = arith.select %gt3A_155, %select_n3A_150, %select_n3A_159 : vector<16xi1>, vector<16xi32>
      %select_n3A_161 = arith.select %gt3A_156, %get3A_51, %select_n3A_148 : vector<16xi1>, vector<16xf32>
      %select_n3A_162 = arith.select %gt3A_155, %select_n3A_151, %select_n3A_161 : vector<16xi1>, vector<16xf32>
      %select_n3A_163 = arith.select %gt3A_155, %div3A_152, %select_n3A_149 : vector<16xi1>, vector<16xf32>
      %select_n3A_164 = arith.select %gt3A_155, %broadcast_in_dim3A_154, %select_n3A_150 : vector<16xi1>, vector<16xi32>
      %select_n3A_165 = arith.select %gt3A_155, %get3A_51, %select_n3A_151 : vector<16xi1>, vector<16xf32>
      %div3A_166 = arith.divf %exp3A_76, %add3A_83 : vector<16xf32>
      %broadcast_in_dim3A_167 = arith.constant 7 : i32
      %broadcast_in_dim3A_168 = vector.broadcast %broadcast_in_dim3A_167 : i32 to vector<16xi32>
      %gt3A_169 = arith.cmpf ogt, %div3A_166, %select_n3A_163 : vector<16xf32>
      %gt3A_170 = arith.cmpf ogt, %div3A_166, %select_n3A_158 : vector<16xf32>
      %select_n3A_171 = arith.select %gt3A_170, %div3A_166, %select_n3A_158 : vector<16xi1>, vector<16xf32>
      %select_n3A_172 = arith.select %gt3A_169, %select_n3A_163, %select_n3A_171 : vector<16xi1>, vector<16xf32>
      %select_n3A_173 = arith.select %gt3A_170, %broadcast_in_dim3A_168, %select_n3A_160 : vector<16xi1>, vector<16xi32>
      %select_n3A_174 = arith.select %gt3A_169, %select_n3A_164, %select_n3A_173 : vector<16xi1>, vector<16xi32>
      %select_n3A_175 = arith.select %gt3A_170, %get3A_56, %select_n3A_162 : vector<16xi1>, vector<16xf32>
      %select_n3A_176 = arith.select %gt3A_169, %select_n3A_165, %select_n3A_175 : vector<16xi1>, vector<16xf32>
      %select_n3A_177 = arith.select %gt3A_169, %div3A_166, %select_n3A_163 : vector<16xi1>, vector<16xf32>
      %select_n3A_178 = arith.select %gt3A_169, %broadcast_in_dim3A_168, %select_n3A_164 : vector<16xi1>, vector<16xi32>
      %select_n3A_179 = arith.select %gt3A_169, %get3A_56, %select_n3A_165 : vector<16xi1>, vector<16xf32>
      %swap3A = arith.constant 0 : i32
      %swap3A_180 = arith.index_cast %swap3A : i32 to index
      %swap3A_181 = arith.index_cast %add3A_17 : i32 to index
      %swap3A_182 = tpu.vector_load %arg6[%swap3A_180, %swap3A_181] {strides = array<i32>} : memref<2x1024xi32, #tpu.memory_space<vmem>>, vector<1x16xi32>,
      %swap3A_183 = vector.shape_cast %swap3A_182 : vector<1x16xi32> to vector<16xi32>
      %swap3A_184 = vector.shape_cast %select_n3A_178 : vector<16xi32> to vector<1x16xi32>
      tpu.vector_store %arg6[%swap3A_180, %swap3A_181], %swap3A_184 {strides = array<i32>} : memref<2x1024xi32, #tpu.memory_space<vmem>>, vector<1x16xi32>,
      %swap3A_185 = arith.constant 1 : i32
      %swap3A_186 = arith.index_cast %swap3A_185 : i32 to index
      %swap3A_187 = arith.index_cast %add3A_17 : i32 to index
      %swap3A_188 = tpu.vector_load %arg6[%swap3A_186, %swap3A_187] {strides = array<i32>} : memref<2x1024xi32, #tpu.memory_space<vmem>>, vector<1x16xi32>,
      %swap3A_189 = vector.shape_cast %swap3A_188 : vector<1x16xi32> to vector<16xi32>
      %swap3A_190 = vector.shape_cast %select_n3A_174 : vector<16xi32> to vector<1x16xi32>
      tpu.vector_store %arg6[%swap3A_186, %swap3A_187], %swap3A_190 {strides = array<i32>} : memref<2x1024xi32, #tpu.memory_space<vmem>>, vector<1x16xi32>,
      %swap3A_191 = arith.constant 0 : i32
      %swap3A_192 = arith.index_cast %swap3A_191 : i32 to index
      %swap3A_193 = arith.index_cast %add3A_17 : i32 to index
      %swap3A_194 = tpu.vector_load %arg7[%swap3A_192, %swap3A_193] {strides = array<i32>} : memref<2x1024xf32, #tpu.memory_space<vmem>>, vector<1x16xf32>,
      %swap3A_195 = vector.shape_cast %swap3A_194 : vector<1x16xf32> to vector<16xf32>
      %swap3A_196 = vector.shape_cast %select_n3A_179 : vector<16xf32> to vector<1x16xf32>
      tpu.vector_store %arg7[%swap3A_192, %swap3A_193], %swap3A_196 {strides = array<i32>} : memref<2x1024xf32, #tpu.memory_space<vmem>>, vector<1x16xf32>,
      %swap3A_197 = arith.constant 1 : i32
      %swap3A_198 = arith.index_cast %swap3A_197 : i32 to index
      %swap3A_199 = arith.index_cast %add3A_17 : i32 to index
      %swap3A_200 = tpu.vector_load %arg7[%swap3A_198, %swap3A_199] {strides = array<i32>} : memref<2x1024xf32, #tpu.memory_space<vmem>>, vector<1x16xf32>,
      %swap3A_201 = vector.shape_cast %swap3A_200 : vector<1x16xf32> to vector<16xf32>
      %swap3A_202 = vector.shape_cast %select_n3A_176 : vector<16xf32> to vector<1x16xf32>
      tpu.vector_store %arg7[%swap3A_198, %swap3A_199], %swap3A_202 {strides = array<i32>} : memref<2x1024xf32, #tpu.memory_space<vmem>>, vector<1x16xf32>,
      %mul3A_203 = arith.constant 64 : i32
      %mul3A_204 = arith.muli %scan3A_12, %mul3A_203 : i32
      %add3A_205 = arith.constant 16 : i32
      %add3A_206 = arith.addi %mul3A_204, %add3A_205 : i32
      %get3A_207 = arith.constant 0 : i32
      %get3A_208 = arith.index_cast %get3A_207 : i32 to index
      %get3A_209 = arith.index_cast %add3A_206 : i32 to index
      %get3A_210 = tpu.vector_load %arg5[%get3A_208, %get3A_209] {strides = array<i32>} : memref<8x1024xf32, #tpu.memory_space<vmem>>, vector<1x16xf32>,
      %get3A_211 = vector.shape_cast %get3A_210 : vector<1x16xf32> to vector<16xf32>
      %get3A_212 = arith.constant 1 : i32
      %get3A_213 = arith.index_cast %get3A_212 : i32 to index
      %get3A_214 = arith.index_cast %add3A_206 : i32 to index
      %get3A_215 = tpu.vector_load %arg5[%get3A_213, %get3A_214] {strides = array<i32>} : memref<8x1024xf32, #tpu.memory_space<vmem>>, vector<1x16xf32>,
      %get3A_216 = vector.shape_cast %get3A_215 : vector<1x16xf32> to vector<16xf32>
      %get3A_217 = arith.constant 2 : i32
      %get3A_218 = arith.index_cast %get3A_217 : i32 to index
      %get3A_219 = arith.index_cast %add3A_206 : i32 to index
      %get3A_220 = tpu.vector_load %arg5[%get3A_218, %get3A_219] {strides = array<i32>} : memref<8x1024xf32, #tpu.memory_space<vmem>>, vector<1x16xf32>,
      %get3A_221 = vector.shape_cast %get3A_220 : vector<1x16xf32> to vector<16xf32>
      %get3A_222 = arith.constant 3 : i32
      %get3A_223 = arith.index_cast %get3A_222 : i32 to index
      %get3A_224 = arith.index_cast %add3A_206 : i32 to index
      %get3A_225 = tpu.vector_load %arg5[%get3A_223, %get3A_224] {strides = array<i32>} : memref<8x1024xf32, #tpu.memory_space<vmem>>, vector<1x16xf32>,
      %get3A_226 = vector.shape_cast %get3A_225 : vector<1x16xf32> to vector<16xf32>
      %get3A_227 = arith.constant 4 : i32
      %get3A_228 = arith.index_cast %get3A_227 : i32 to index
      %get3A_229 = arith.index_cast %add3A_206 : i32 to index
      %get3A_230 = tpu.vector_load %arg5[%get3A_228, %get3A_229] {strides = array<i32>} : memref<8x1024xf32, #tpu.memory_space<vmem>>, vector<1x16xf32>,
      %get3A_231 = vector.shape_cast %get3A_230 : vector<1x16xf32> to vector<16xf32>
      %get3A_232 = arith.constant 5 : i32
      %get3A_233 = arith.index_cast %get3A_232 : i32 to index
      %get3A_234 = arith.index_cast %add3A_206 : i32 to index
      %get3A_235 = tpu.vector_load %arg5[%get3A_233, %get3A_234] {strides = array<i32>} : memref<8x1024xf32, #tpu.memory_space<vmem>>, vector<1x16xf32>,
      %get3A_236 = vector.shape_cast %get3A_235 : vector<1x16xf32> to vector<16xf32>
      %get3A_237 = arith.constant 6 : i32
      %get3A_238 = arith.index_cast %get3A_237 : i32 to index
      %get3A_239 = arith.index_cast %add3A_206 : i32 to index
      %get3A_240 = tpu.vector_load %arg5[%get3A_238, %get3A_239] {strides = array<i32>} : memref<8x1024xf32, #tpu.memory_space<vmem>>, vector<1x16xf32>,
      %get3A_241 = vector.shape_cast %get3A_240 : vector<1x16xf32> to vector<16xf32>
      %get3A_242 = arith.constant 7 : i32
      %get3A_243 = arith.index_cast %get3A_242 : i32 to index
      %get3A_244 = arith.index_cast %add3A_206 : i32 to index
      %get3A_245 = tpu.vector_load %arg5[%get3A_243, %get3A_244] {strides = array<i32>} : memref<8x1024xf32, #tpu.memory_space<vmem>>, vector<1x16xf32>,
      %get3A_246 = vector.shape_cast %get3A_245 : vector<1x16xf32> to vector<16xf32>
      %max3A_247 = arith.maximumf %get3A_211, %get3A_216 : vector<16xf32>
      %max3A_248 = arith.maximumf %get3A_221, %get3A_226 : vector<16xf32>
      %max3A_249 = arith.maximumf %get3A_231, %get3A_236 : vector<16xf32>
      %max3A_250 = arith.maximumf %get3A_241, %get3A_246 : vector<16xf32>
      %max3A_251 = arith.maximumf %max3A_247, %max3A_248 : vector<16xf32>
      %max3A_252 = arith.maximumf %max3A_249, %max3A_250 : vector<16xf32>
      %max3A_253 = arith.maximumf %max3A_251, %max3A_252 : vector<16xf32>
      %sub3A_254 = arith.subf %get3A_211, %max3A_253 : vector<16xf32>
      %exp3A_255 = math.exp %sub3A_254 : vector<16xf32>
      %sub3A_256 = arith.subf %get3A_216, %max3A_253 : vector<16xf32>
      %exp3A_257 = math.exp %sub3A_256 : vector<16xf32>
      %sub3A_258 = arith.subf %get3A_221, %max3A_253 : vector<16xf32>
      %exp3A_259 = math.exp %sub3A_258 : vector<16xf32>
      %sub3A_260 = arith.subf %get3A_226, %max3A_253 : vector<16xf32>
      %exp3A_261 = math.exp %sub3A_260 : vector<16xf32>
      %sub3A_262 = arith.subf %get3A_231, %max3A_253 : vector<16xf32>
      %exp3A_263 = math.exp %sub3A_262 : vector<16xf32>
      %sub3A_264 = arith.subf %get3A_236, %max3A_253 : vector<16xf32>
      %exp3A_265 = math.exp %sub3A_264 : vector<16xf32>
      %sub3A_266 = arith.subf %get3A_241, %max3A_253 : vector<16xf32>
      %exp3A_267 = math.exp %sub3A_266 : vector<16xf32>
      %sub3A_268 = arith.subf %get3A_246, %max3A_253 : vector<16xf32>
      %exp3A_269 = math.exp %sub3A_268 : vector<16xf32>
      %add3A_270 = arith.addf %exp3A_255, %exp3A_257 : vector<16xf32>
      %add3A_271 = arith.addf %exp3A_259, %exp3A_261 : vector<16xf32>
      %add3A_272 = arith.addf %exp3A_263, %exp3A_265 : vector<16xf32>
      %add3A_273 = arith.addf %exp3A_267, %exp3A_269 : vector<16xf32>
      %add3A_274 = arith.addf %add3A_270, %add3A_271 : vector<16xf32>
      %add3A_275 = arith.addf %add3A_272, %add3A_273 : vector<16xf32>
      %add3A_276 = arith.addf %add3A_274, %add3A_275 : vector<16xf32>
      %div3A_277 = arith.divf %exp3A_255, %add3A_276 : vector<16xf32>
      %div3A_278 = arith.divf %exp3A_257, %add3A_276 : vector<16xf32>
      %broadcast_in_dim3A_279 = arith.constant 1 : i32
      %broadcast_in_dim3A_280 = vector.broadcast %broadcast_in_dim3A_279 : i32 to vector<16xi32>
      %gt3A_281 = arith.cmpf ogt, %div3A_278, %div3A_277 : vector<16xf32>
      %gt3A_282 = arith.cmpf ogt, %div3A_278, %broadcast_in_dim3A_3 : vector<16xf32>
      %select_n3A_283 = arith.select %gt3A_282, %div3A_278, %broadcast_in_dim3A_3 : vector<16xi1>, vector<16xf32>
      %select_n3A_284 = arith.select %gt3A_281, %div3A_277, %select_n3A_283 : vector<16xi1>, vector<16xf32>
      %select_n3A_285 = arith.select %gt3A_282, %broadcast_in_dim3A_280, %broadcast_in_dim3A_5 : vector<16xi1>, vector<16xi32>
      %select_n3A_286 = arith.select %gt3A_281, %broadcast_in_dim3A_5, %select_n3A_285 : vector<16xi1>, vector<16xi32>
      %select_n3A_287 = arith.select %gt3A_282, %get3A_216, %broadcast_in_dim3A_3 : vector<16xi1>, vector<16xf32>
      %select_n3A_288 = arith.select %gt3A_281, %get3A_211, %select_n3A_287 : vector<16xi1>, vector<16xf32>
      %select_n3A_289 = arith.select %gt3A_281, %div3A_278, %div3A_277 : vector<16xi1>, vector<16xf32>
      %select_n3A_290 = arith.select %gt3A_281, %broadcast_in_dim3A_280, %broadcast_in_dim3A_5 : vector<16xi1>, vector<16xi32>
      %select_n3A_291 = arith.select %gt3A_281, %get3A_216, %get3A_211 : vector<16xi1>, vector<16xf32>
      %div3A_292 = arith.divf %exp3A_259, %add3A_276 : vector<16xf32>
      %broadcast_in_dim3A_293 = arith.constant 2 : i32
      %broadcast_in_dim3A_294 = vector.broadcast %broadcast_in_dim3A_293 : i32 to vector<16xi32>
      %gt3A_295 = arith.cmpf ogt, %div3A_292, %select_n3A_289 : vector<16xf32>
      %gt3A_296 = arith.cmpf ogt, %div3A_292, %select_n3A_284 : vector<16xf32>
      %select_n3A_297 = arith.select %gt3A_296, %div3A_292, %select_n3A_284 : vector<16xi1>, vector<16xf32>
      %select_n3A_298 = arith.select %gt3A_295, %select_n3A_289, %select_n3A_297 : vector<16xi1>, vector<16xf32>
      %select_n3A_299 = arith.select %gt3A_296, %broadcast_in_dim3A_294, %select_n3A_286 : vector<16xi1>, vector<16xi32>
      %select_n3A_300 = arith.select %gt3A_295, %select_n3A_290, %select_n3A_299 : vector<16xi1>, vector<16xi32>
      %select_n3A_301 = arith.select %gt3A_296, %get3A_221, %select_n3A_288 : vector<16xi1>, vector<16xf32>
      %select_n3A_302 = arith.select %gt3A_295, %select_n3A_291, %select_n3A_301 : vector<16xi1>, vector<16xf32>
      %select_n3A_303 = arith.select %gt3A_295, %div3A_292, %select_n3A_289 : vector<16xi1>, vector<16xf32>
      %select_n3A_304 = arith.select %gt3A_295, %broadcast_in_dim3A_294, %select_n3A_290 : vector<16xi1>, vector<16xi32>
      %select_n3A_305 = arith.select %gt3A_295, %get3A_221, %select_n3A_291 : vector<16xi1>, vector<16xf32>
      %div3A_306 = arith.divf %exp3A_261, %add3A_276 : vector<16xf32>
      %broadcast_in_dim3A_307 = arith.constant 3 : i32
      %broadcast_in_dim3A_308 = vector.broadcast %broadcast_in_dim3A_307 : i32 to vector<16xi32>
      %gt3A_309 = arith.cmpf ogt, %div3A_306, %select_n3A_303 : vector<16xf32>
      %gt3A_310 = arith.cmpf ogt, %div3A_306, %select_n3A_298 : vector<16xf32>
      %select_n3A_311 = arith.select %gt3A_310, %div3A_306, %select_n3A_298 : vector<16xi1>, vector<16xf32>
      %select_n3A_312 = arith.select %gt3A_309, %select_n3A_303, %select_n3A_311 : vector<16xi1>, vector<16xf32>
      %select_n3A_313 = arith.select %gt3A_310, %broadcast_in_dim3A_308, %select_n3A_300 : vector<16xi1>, vector<16xi32>
      %select_n3A_314 = arith.select %gt3A_309, %select_n3A_304, %select_n3A_313 : vector<16xi1>, vector<16xi32>
      %select_n3A_315 = arith.select %gt3A_310, %get3A_226, %select_n3A_302 : vector<16xi1>, vector<16xf32>
      %select_n3A_316 = arith.select %gt3A_309, %select_n3A_305, %select_n3A_315 : vector<16xi1>, vector<16xf32>
      %select_n3A_317 = arith.select %gt3A_309, %div3A_306, %select_n3A_303 : vector<16xi1>, vector<16xf32>
      %select_n3A_318 = arith.select %gt3A_309, %broadcast_in_dim3A_308, %select_n3A_304 : vector<16xi1>, vector<16xi32>
      %select_n3A_319 = arith.select %gt3A_309, %get3A_226, %select_n3A_305 : vector<16xi1>, vector<16xf32>
      %div3A_320 = arith.divf %exp3A_263, %add3A_276 : vector<16xf32>
      %broadcast_in_dim3A_321 = arith.constant 4 : i32
      %broadcast_in_dim3A_322 = vector.broadcast %broadcast_in_dim3A_321 : i32 to vector<16xi32>
      %gt3A_323 = arith.cmpf ogt, %div3A_320, %select_n3A_317 : vector<16xf32>
      %gt3A_324 = arith.cmpf ogt, %div3A_320, %select_n3A_312 : vector<16xf32>
      %select_n3A_325 = arith.select %gt3A_324, %div3A_320, %select_n3A_312 : vector<16xi1>, vector<16xf32>
      %select_n3A_326 = arith.select %gt3A_323, %select_n3A_317, %select_n3A_325 : vector<16xi1>, vector<16xf32>
      %select_n3A_327 = arith.select %gt3A_324, %broadcast_in_dim3A_322, %select_n3A_314 : vector<16xi1>, vector<16xi32>
      %select_n3A_328 = arith.select %gt3A_323, %select_n3A_318, %select_n3A_327 : vector<16xi1>, vector<16xi32>
      %select_n3A_329 = arith.select %gt3A_324, %get3A_231, %select_n3A_316 : vector<16xi1>, vector<16xf32>
      %select_n3A_330 = arith.select %gt3A_323, %select_n3A_319, %select_n3A_329 : vector<16xi1>, vector<16xf32>
      %select_n3A_331 = arith.select %gt3A_323, %div3A_320, %select_n3A_317 : vector<16xi1>, vector<16xf32>
      %select_n3A_332 = arith.select %gt3A_323, %broadcast_in_dim3A_322, %select_n3A_318 : vector<16xi1>, vector<16xi32>
      %select_n3A_333 = arith.select %gt3A_323, %get3A_231, %select_n3A_319 : vector<16xi1>, vector<16xf32>
      %div3A_334 = arith.divf %exp3A_265, %add3A_276 : vector<16xf32>
      %broadcast_in_dim3A_335 = arith.constant 5 : i32
      %broadcast_in_dim3A_336 = vector.broadcast %broadcast_in_dim3A_335 : i32 to vector<16xi32>
      %gt3A_337 = arith.cmpf ogt, %div3A_334, %select_n3A_331 : vector<16xf32>
      %gt3A_338 = arith.cmpf ogt, %div3A_334, %select_n3A_326 : vector<16xf32>
      %select_n3A_339 = arith.select %gt3A_338, %div3A_334, %select_n3A_326 : vector<16xi1>, vector<16xf32>
      %select_n3A_340 = arith.select %gt3A_337, %select_n3A_331, %select_n3A_339 : vector<16xi1>, vector<16xf32>
      %select_n3A_341 = arith.select %gt3A_338, %broadcast_in_dim3A_336, %select_n3A_328 : vector<16xi1>, vector<16xi32>
      %select_n3A_342 = arith.select %gt3A_337, %select_n3A_332, %select_n3A_341 : vector<16xi1>, vector<16xi32>
      %select_n3A_343 = arith.select %gt3A_338, %get3A_236, %select_n3A_330 : vector<16xi1>, vector<16xf32>
      %select_n3A_344 = arith.select %gt3A_337, %select_n3A_333, %select_n3A_343 : vector<16xi1>, vector<16xf32>
      %select_n3A_345 = arith.select %gt3A_337, %div3A_334, %select_n3A_331 : vector<16xi1>, vector<16xf32>
      %select_n3A_346 = arith.select %gt3A_337, %broadcast_in_dim3A_336, %select_n3A_332 : vector<16xi1>, vector<16xi32>
      %select_n3A_347 = arith.select %gt3A_337, %get3A_236, %select_n3A_333 : vector<16xi1>, vector<16xf32>
      %div3A_348 = arith.divf %exp3A_267, %add3A_276 : vector<16xf32>
      %broadcast_in_dim3A_349 = arith.constant 6 : i32
      %broadcast_in_dim3A_350 = vector.broadcast %broadcast_in_dim3A_349 : i32 to vector<16xi32>
      %gt3A_351 = arith.cmpf ogt, %div3A_348, %select_n3A_345 : vector<16xf32>
      %gt3A_352 = arith.cmpf ogt, %div3A_348, %select_n3A_340 : vector<16xf32>
      %select_n3A_353 = arith.select %gt3A_352, %div3A_348, %select_n3A_340 : vector<16xi1>, vector<16xf32>
      %select_n3A_354 = arith.select %gt3A_351, %select_n3A_345, %select_n3A_353 : vector<16xi1>, vector<16xf32>
      %select_n3A_355 = arith.select %gt3A_352, %broadcast_in_dim3A_350, %select_n3A_342 : vector<16xi1>, vector<16xi32>
      %select_n3A_356 = arith.select %gt3A_351, %select_n3A_346, %select_n3A_355 : vector<16xi1>, vector<16xi32>
      %select_n3A_357 = arith.select %gt3A_352, %get3A_241, %select_n3A_344 : vector<16xi1>, vector<16xf32>
      %select_n3A_358 = arith.select %gt3A_351, %select_n3A_347, %select_n3A_357 : vector<16xi1>, vector<16xf32>
      %select_n3A_359 = arith.select %gt3A_351, %div3A_348, %select_n3A_345 : vector<16xi1>, vector<16xf32>
      %select_n3A_360 = arith.select %gt3A_351, %broadcast_in_dim3A_350, %select_n3A_346 : vector<16xi1>, vector<16xi32>
      %select_n3A_361 = arith.select %gt3A_351, %get3A_241, %select_n3A_347 : vector<16xi1>, vector<16xf32>
      %div3A_362 = arith.divf %exp3A_269, %add3A_276 : vector<16xf32>
      %broadcast_in_dim3A_363 = arith.constant 7 : i32
      %broadcast_in_dim3A_364 = vector.broadcast %broadcast_in_dim3A_363 : i32 to vector<16xi32>
      %gt3A_365 = arith.cmpf ogt, %div3A_362, %select_n3A_359 : vector<16xf32>
      %gt3A_366 = arith.cmpf ogt, %div3A_362, %select_n3A_354 : vector<16xf32>
      %select_n3A_367 = arith.select %gt3A_366, %div3A_362, %select_n3A_354 : vector<16xi1>, vector<16xf32>
      %select_n3A_368 = arith.select %gt3A_365, %select_n3A_359, %select_n3A_367 : vector<16xi1>, vector<16xf32>
      %select_n3A_369 = arith.select %gt3A_366, %broadcast_in_dim3A_364, %select_n3A_356 : vector<16xi1>, vector<16xi32>
      %select_n3A_370 = arith.select %gt3A_365, %select_n3A_360, %select_n3A_369 : vector<16xi1>, vector<16xi32>
      %select_n3A_371 = arith.select %gt3A_366, %get3A_246, %select_n3A_358 : vector<16xi1>, vector<16xf32>
      %select_n3A_372 = arith.select %gt3A_365, %select_n3A_361, %select_n3A_371 : vector<16xi1>, vector<16xf32>
      %select_n3A_373 = arith.select %gt3A_365, %div3A_362, %select_n3A_359 : vector<16xi1>, vector<16xf32>
      %select_n3A_374 = arith.select %gt3A_365, %broadcast_in_dim3A_364, %select_n3A_360 : vector<16xi1>, vector<16xi32>
      %select_n3A_375 = arith.select %gt3A_365, %get3A_246, %select_n3A_361 : vector<16xi1>, vector<16xf32>
      %swap3A_376 = arith.constant 0 : i32
      %swap3A_377 = arith.index_cast %swap3A_376 : i32 to index
      %swap3A_378 = arith.index_cast %add3A_206 : i32 to index
      %swap3A_379 = tpu.vector_load %arg6[%swap3A_377, %swap3A_378] {strides = array<i32>} : memref<2x1024xi32, #tpu.memory_space<vmem>>, vector<1x16xi32>,
      %swap3A_380 = vector.shape_cast %swap3A_379 : vector<1x16xi32> to vector<16xi32>
      %swap3A_381 = vector.shape_cast %select_n3A_374 : vector<16xi32> to vector<1x16xi32>
      tpu.vector_store %arg6[%swap3A_377, %swap3A_378], %swap3A_381 {strides = array<i32>} : memref<2x1024xi32, #tpu.memory_space<vmem>>, vector<1x16xi32>,
      %swap3A_382 = arith.constant 1 : i32
      %swap3A_383 = arith.index_cast %swap3A_382 : i32 to index
      %swap3A_384 = arith.index_cast %add3A_206 : i32 to index
      %swap3A_385 = tpu.vector_load %arg6[%swap3A_383, %swap3A_384] {strides = array<i32>} : memref<2x1024xi32, #tpu.memory_space<vmem>>, vector<1x16xi32>,
      %swap3A_386 = vector.shape_cast %swap3A_385 : vector<1x16xi32> to vector<16xi32>
      %swap3A_387 = vector.shape_cast %select_n3A_370 : vector<16xi32> to vector<1x16xi32>
      tpu.vector_store %arg6[%swap3A_383, %swap3A_384], %swap3A_387 {strides = array<i32>} : memref<2x1024xi32, #tpu.memory_space<vmem>>, vector<1x16xi32>,
      %swap3A_388 = arith.constant 0 : i32
      %swap3A_389 = arith.index_cast %swap3A_388 : i32 to index
      %swap3A_390 = arith.index_cast %add3A_206 : i32 to index
      %swap3A_391 = tpu.vector_load %arg7[%swap3A_389, %swap3A_390] {strides = array<i32>} : memref<2x1024xf32, #tpu.memory_space<vmem>>, vector<1x16xf32>,
      %swap3A_392 = vector.shape_cast %swap3A_391 : vector<1x16xf32> to vector<16xf32>
      %swap3A_393 = vector.shape_cast %select_n3A_375 : vector<16xf32> to vector<1x16xf32>
      tpu.vector_store %arg7[%swap3A_389, %swap3A_390], %swap3A_393 {strides = array<i32>} : memref<2x1024xf32, #tpu.memory_space<vmem>>, vector<1x16xf32>,
      %swap3A_394 = arith.constant 1 : i32
      %swap3A_395 = arith.index_cast %swap3A_394 : i32 to index
      %swap3A_396 = arith.index_cast %add3A_206 : i32 to index
      %swap3A_397 = tpu.vector_load %arg7[%swap3A_395, %swap3A_396] {strides = array<i32>} : memref<2x1024xf32, #tpu.memory_space<vmem>>, vector<1x16xf32>,
      %swap3A_398 = vector.shape_cast %swap3A_397 : vector<1x16xf32> to vector<16xf32>
      %swap3A_399 = vector.shape_cast %select_n3A_372 : vector<16xf32> to vector<1x16xf32>
      tpu.vector_store %arg7[%swap3A_395, %swap3A_396], %swap3A_399 {strides = array<i32>} : memref<2x1024xf32, #tpu.memory_space<vmem>>, vector<1x16xf32>,
      %mul3A_400 = arith.constant 64 : i32
      %mul3A_401 = arith.muli %scan3A_12, %mul3A_400 : i32
      %add3A_402 = arith.constant 32 : i32
      %add3A_403 = arith.addi %mul3A_401, %add3A_402 : i32
      %get3A_404 = arith.constant 0 : i32
      %get3A_405 = arith.index_cast %get3A_404 : i32 to index
      %get3A_406 = arith.index_cast %add3A_403 : i32 to index
      %get3A_407 = tpu.vector_load %arg5[%get3A_405, %get3A_406] {strides = array<i32>} : memref<8x1024xf32, #tpu.memory_space<vmem>>, vector<1x16xf32>,
      %get3A_408 = vector.shape_cast %get3A_407 : vector<1x16xf32> to vector<16xf32>
      %get3A_409 = arith.constant 1 : i32
      %get3A_410 = arith.index_cast %get3A_409 : i32 to index
      %get3A_411 = arith.index_cast %add3A_403 : i32 to index
      %get3A_412 = tpu.vector_load %arg5[%get3A_410, %get3A_411] {strides = array<i32>} : memref<8x1024xf32, #tpu.memory_space<vmem>>, vector<1x16xf32>,
      %get3A_413 = vector.shape_cast %get3A_412 : vector<1x16xf32> to vector<16xf32>
      %get3A_414 = arith.constant 2 : i32
      %get3A_415 = arith.index_cast %get3A_414 : i32 to index
      %get3A_416 = arith.index_cast %add3A_403 : i32 to index
      %get3A_417 = tpu.vector_load %arg5[%get3A_415, %get3A_416] {strides = array<i32>} : memref<8x1024xf32, #tpu.memory_space<vmem>>, vector<1x16xf32>,
      %get3A_418 = vector.shape_cast %get3A_417 : vector<1x16xf32> to vector<16xf32>
      %get3A_419 = arith.constant 3 : i32
      %get3A_420 = arith.index_cast %get3A_419 : i32 to index
      %get3A_421 = arith.index_cast %add3A_403 : i32 to index
      %get3A_422 = tpu.vector_load %arg5[%get3A_420, %get3A_421] {strides = array<i32>} : memref<8x1024xf32, #tpu.memory_space<vmem>>, vector<1x16xf32>,
      %get3A_423 = vector.shape_cast %get3A_422 : vector<1x16xf32> to vector<16xf32>
      %get3A_424 = arith.constant 4 : i32
      %get3A_425 = arith.index_cast %get3A_424 : i32 to index
      %get3A_426 = arith.index_cast %add3A_403 : i32 to index
      %get3A_427 = tpu.vector_load %arg5[%get3A_425, %get3A_426] {strides = array<i32>} : memref<8x1024xf32, #tpu.memory_space<vmem>>, vector<1x16xf32>,
      %get3A_428 = vector.shape_cast %get3A_427 : vector<1x16xf32> to vector<16xf32>
      %get3A_429 = arith.constant 5 : i32
      %get3A_430 = arith.index_cast %get3A_429 : i32 to index
      %get3A_431 = arith.index_cast %add3A_403 : i32 to index
      %get3A_432 = tpu.vector_load %arg5[%get3A_430, %get3A_431] {strides = array<i32>} : memref<8x1024xf32, #tpu.memory_space<vmem>>, vector<1x16xf32>,
      %get3A_433 = vector.shape_cast %get3A_432 : vector<1x16xf32> to vector<16xf32>
      %get3A_434 = arith.constant 6 : i32
      %get3A_435 = arith.index_cast %get3A_434 : i32 to index
      %get3A_436 = arith.index_cast %add3A_403 : i32 to index
      %get3A_437 = tpu.vector_load %arg5[%get3A_435, %get3A_436] {strides = array<i32>} : memref<8x1024xf32, #tpu.memory_space<vmem>>, vector<1x16xf32>,
      %get3A_438 = vector.shape_cast %get3A_437 : vector<1x16xf32> to vector<16xf32>
      %get3A_439 = arith.constant 7 : i32
      %get3A_440 = arith.index_cast %get3A_439 : i32 to index
      %get3A_441 = arith.index_cast %add3A_403 : i32 to index
      %get3A_442 = tpu.vector_load %arg5[%get3A_440, %get3A_441] {strides = array<i32>} : memref<8x1024xf32, #tpu.memory_space<vmem>>, vector<1x16xf32>,
      %get3A_443 = vector.shape_cast %get3A_442 : vector<1x16xf32> to vector<16xf32>
      %max3A_444 = arith.maximumf %get3A_408, %get3A_413 : vector<16xf32>
      %max3A_445 = arith.maximumf %get3A_418, %get3A_423 : vector<16xf32>
      %max3A_446 = arith.maximumf %get3A_428, %get3A_433 : vector<16xf32>
      %max3A_447 = arith.maximumf %get3A_438, %get3A_443 : vector<16xf32>
      %max3A_448 = arith.maximumf %max3A_444, %max3A_445 : vector<16xf32>
      %max3A_449 = arith.maximumf %max3A_446, %max3A_447 : vector<16xf32>
      %max3A_450 = arith.maximumf %max3A_448, %max3A_449 : vector<16xf32>
      %sub3A_451 = arith.subf %get3A_408, %max3A_450 : vector<16xf32>
      %exp3A_452 = math.exp %sub3A_451 : vector<16xf32>
      %sub3A_453 = arith.subf %get3A_413, %max3A_450 : vector<16xf32>
      %exp3A_454 = math.exp %sub3A_453 : vector<16xf32>
      %sub3A_455 = arith.subf %get3A_418, %max3A_450 : vector<16xf32>
      %exp3A_456 = math.exp %sub3A_455 : vector<16xf32>
      %sub3A_457 = arith.subf %get3A_423, %max3A_450 : vector<16xf32>
      %exp3A_458 = math.exp %sub3A_457 : vector<16xf32>
      %sub3A_459 = arith.subf %get3A_428, %max3A_450 : vector<16xf32>
      %exp3A_460 = math.exp %sub3A_459 : vector<16xf32>
      %sub3A_461 = arith.subf %get3A_433, %max3A_450 : vector<16xf32>
      %exp3A_462 = math.exp %sub3A_461 : vector<16xf32>
      %sub3A_463 = arith.subf %get3A_438, %max3A_450 : vector<16xf32>
      %exp3A_464 = math.exp %sub3A_463 : vector<16xf32>
      %sub3A_465 = arith.subf %get3A_443, %max3A_450 : vector<16xf32>
      %exp3A_466 = math.exp %sub3A_465 : vector<16xf32>
      %add3A_467 = arith.addf %exp3A_452, %exp3A_454 : vector<16xf32>
      %add3A_468 = arith.addf %exp3A_456, %exp3A_458 : vector<16xf32>
      %add3A_469 = arith.addf %exp3A_460, %exp3A_462 : vector<16xf32>
      %add3A_470 = arith.addf %exp3A_464, %exp3A_466 : vector<16xf32>
      %add3A_471 = arith.addf %add3A_467, %add3A_468 : vector<16xf32>
      %add3A_472 = arith.addf %add3A_469, %add3A_470 : vector<16xf32>
      %add3A_473 = arith.addf %add3A_471, %add3A_472 : vector<16xf32>
      %div3A_474 = arith.divf %exp3A_452, %add3A_473 : vector<16xf32>
      %div3A_475 = arith.divf %exp3A_454, %add3A_473 : vector<16xf32>
      %broadcast_in_dim3A_476 = arith.constant 1 : i32
      %broadcast_in_dim3A_477 = vector.broadcast %broadcast_in_dim3A_476 : i32 to vector<16xi32>
      %gt3A_478 = arith.cmpf ogt, %div3A_475, %div3A_474 : vector<16xf32>
      %gt3A_479 = arith.cmpf ogt, %div3A_475, %broadcast_in_dim3A_3 : vector<16xf32>
      %select_n3A_480 = arith.select %gt3A_479, %div3A_475, %broadcast_in_dim3A_3 : vector<16xi1>, vector<16xf32>
      %select_n3A_481 = arith.select %gt3A_478, %div3A_474, %select_n3A_480 : vector<16xi1>, vector<16xf32>
      %select_n3A_482 = arith.select %gt3A_479, %broadcast_in_dim3A_477, %broadcast_in_dim3A_5 : vector<16xi1>, vector<16xi32>
      %select_n3A_483 = arith.select %gt3A_478, %broadcast_in_dim3A_5, %select_n3A_482 : vector<16xi1>, vector<16xi32>
      %select_n3A_484 = arith.select %gt3A_479, %get3A_413, %broadcast_in_dim3A_3 : vector<16xi1>, vector<16xf32>
      %select_n3A_485 = arith.select %gt3A_478, %get3A_408, %select_n3A_484 : vector<16xi1>, vector<16xf32>
      %select_n3A_486 = arith.select %gt3A_478, %div3A_475, %div3A_474 : vector<16xi1>, vector<16xf32>
      %select_n3A_487 = arith.select %gt3A_478, %broadcast_in_dim3A_477, %broadcast_in_dim3A_5 : vector<16xi1>, vector<16xi32>
      %select_n3A_488 = arith.select %gt3A_478, %get3A_413, %get3A_408 : vector<16xi1>, vector<16xf32>
      %div3A_489 = arith.divf %exp3A_456, %add3A_473 : vector<16xf32>
      %broadcast_in_dim3A_490 = arith.constant 2 : i32
      %broadcast_in_dim3A_491 = vector.broadcast %broadcast_in_dim3A_490 : i32 to vector<16xi32>
      %gt3A_492 = arith.cmpf ogt, %div3A_489, %select_n3A_486 : vector<16xf32>
      %gt3A_493 = arith.cmpf ogt, %div3A_489, %select_n3A_481 : vector<16xf32>
      %select_n3A_494 = arith.select %gt3A_493, %div3A_489, %select_n3A_481 : vector<16xi1>, vector<16xf32>
      %select_n3A_495 = arith.select %gt3A_492, %select_n3A_486, %select_n3A_494 : vector<16xi1>, vector<16xf32>
      %select_n3A_496 = arith.select %gt3A_493, %broadcast_in_dim3A_491, %select_n3A_483 : vector<16xi1>, vector<16xi32>
      %select_n3A_497 = arith.select %gt3A_492, %select_n3A_487, %select_n3A_496 : vector<16xi1>, vector<16xi32>
      %select_n3A_498 = arith.select %gt3A_493, %get3A_418, %select_n3A_485 : vector<16xi1>, vector<16xf32>
      %select_n3A_499 = arith.select %gt3A_492, %select_n3A_488, %select_n3A_498 : vector<16xi1>, vector<16xf32>
      %select_n3A_500 = arith.select %gt3A_492, %div3A_489, %select_n3A_486 : vector<16xi1>, vector<16xf32>
      %select_n3A_501 = arith.select %gt3A_492, %broadcast_in_dim3A_491, %select_n3A_487 : vector<16xi1>, vector<16xi32>
      %select_n3A_502 = arith.select %gt3A_492, %get3A_418, %select_n3A_488 : vector<16xi1>, vector<16xf32>
      %div3A_503 = arith.divf %exp3A_458, %add3A_473 : vector<16xf32>
      %broadcast_in_dim3A_504 = arith.constant 3 : i32
      %broadcast_in_dim3A_505 = vector.broadcast %broadcast_in_dim3A_504 : i32 to vector<16xi32>
      %gt3A_506 = arith.cmpf ogt, %div3A_503, %select_n3A_500 : vector<16xf32>
      %gt3A_507 = arith.cmpf ogt, %div3A_503, %select_n3A_495 : vector<16xf32>
      %select_n3A_508 = arith.select %gt3A_507, %div3A_503, %select_n3A_495 : vector<16xi1>, vector<16xf32>
      %select_n3A_509 = arith.select %gt3A_506, %select_n3A_500, %select_n3A_508 : vector<16xi1>, vector<16xf32>
      %select_n3A_510 = arith.select %gt3A_507, %broadcast_in_dim3A_505, %select_n3A_497 : vector<16xi1>, vector<16xi32>
      %select_n3A_511 = arith.select %gt3A_506, %select_n3A_501, %select_n3A_510 : vector<16xi1>, vector<16xi32>
      %select_n3A_512 = arith.select %gt3A_507, %get3A_423, %select_n3A_499 : vector<16xi1>, vector<16xf32>
      %select_n3A_513 = arith.select %gt3A_506, %select_n3A_502, %select_n3A_512 : vector<16xi1>, vector<16xf32>
      %select_n3A_514 = arith.select %gt3A_506, %div3A_503, %select_n3A_500 : vector<16xi1>, vector<16xf32>
      %select_n3A_515 = arith.select %gt3A_506, %broadcast_in_dim3A_505, %select_n3A_501 : vector<16xi1>, vector<16xi32>
      %select_n3A_516 = arith.select %gt3A_506, %get3A_423, %select_n3A_502 : vector<16xi1>, vector<16xf32>
      %div3A_517 = arith.divf %exp3A_460, %add3A_473 : vector<16xf32>
      %broadcast_in_dim3A_518 = arith.constant 4 : i32
      %broadcast_in_dim3A_519 = vector.broadcast %broadcast_in_dim3A_518 : i32 to vector<16xi32>
      %gt3A_520 = arith.cmpf ogt, %div3A_517, %select_n3A_514 : vector<16xf32>
      %gt3A_521 = arith.cmpf ogt, %div3A_517, %select_n3A_509 : vector<16xf32>
      %select_n3A_522 = arith.select %gt3A_521, %div3A_517, %select_n3A_509 : vector<16xi1>, vector<16xf32>
      %select_n3A_523 = arith.select %gt3A_520, %select_n3A_514, %select_n3A_522 : vector<16xi1>, vector<16xf32>
      %select_n3A_524 = arith.select %gt3A_521, %broadcast_in_dim3A_519, %select_n3A_511 : vector<16xi1>, vector<16xi32>
      %select_n3A_525 = arith.select %gt3A_520, %select_n3A_515, %select_n3A_524 : vector<16xi1>, vector<16xi32>
      %select_n3A_526 = arith.select %gt3A_521, %get3A_428, %select_n3A_513 : vector<16xi1>, vector<16xf32>
      %select_n3A_527 = arith.select %gt3A_520, %select_n3A_516, %select_n3A_526 : vector<16xi1>, vector<16xf32>
      %select_n3A_528 = arith.select %gt3A_520, %div3A_517, %select_n3A_514 : vector<16xi1>, vector<16xf32>
      %select_n3A_529 = arith.select %gt3A_520, %broadcast_in_dim3A_519, %select_n3A_515 : vector<16xi1>, vector<16xi32>
      %select_n3A_530 = arith.select %gt3A_520, %get3A_428, %select_n3A_516 : vector<16xi1>, vector<16xf32>
      %div3A_531 = arith.divf %exp3A_462, %add3A_473 : vector<16xf32>
      %broadcast_in_dim3A_532 = arith.constant 5 : i32
      %broadcast_in_dim3A_533 = vector.broadcast %broadcast_in_dim3A_532 : i32 to vector<16xi32>
      %gt3A_534 = arith.cmpf ogt, %div3A_531, %select_n3A_528 : vector<16xf32>
      %gt3A_535 = arith.cmpf ogt, %div3A_531, %select_n3A_523 : vector<16xf32>
      %select_n3A_536 = arith.select %gt3A_535, %div3A_531, %select_n3A_523 : vector<16xi1>, vector<16xf32>
      %select_n3A_537 = arith.select %gt3A_534, %select_n3A_528, %select_n3A_536 : vector<16xi1>, vector<16xf32>
      %select_n3A_538 = arith.select %gt3A_535, %broadcast_in_dim3A_533, %select_n3A_525 : vector<16xi1>, vector<16xi32>
      %select_n3A_539 = arith.select %gt3A_534, %select_n3A_529, %select_n3A_538 : vector<16xi1>, vector<16xi32>
      %select_n3A_540 = arith.select %gt3A_535, %get3A_433, %select_n3A_527 : vector<16xi1>, vector<16xf32>
      %select_n3A_541 = arith.select %gt3A_534, %select_n3A_530, %select_n3A_540 : vector<16xi1>, vector<16xf32>
      %select_n3A_542 = arith.select %gt3A_534, %div3A_531, %select_n3A_528 : vector<16xi1>, vector<16xf32>
      %select_n3A_543 = arith.select %gt3A_534, %broadcast_in_dim3A_533, %select_n3A_529 : vector<16xi1>, vector<16xi32>
      %select_n3A_544 = arith.select %gt3A_534, %get3A_433, %select_n3A_530 : vector<16xi1>, vector<16xf32>
      %div3A_545 = arith.divf %exp3A_464, %add3A_473 : vector<16xf32>
      %broadcast_in_dim3A_546 = arith.constant 6 : i32
      %broadcast_in_dim3A_547 = vector.broadcast %broadcast_in_dim3A_546 : i32 to vector<16xi32>
      %gt3A_548 = arith.cmpf ogt, %div3A_545, %select_n3A_542 : vector<16xf32>
      %gt3A_549 = arith.cmpf ogt, %div3A_545, %select_n3A_537 : vector<16xf32>
      %select_n3A_550 = arith.select %gt3A_549, %div3A_545, %select_n3A_537 : vector<16xi1>, vector<16xf32>
      %select_n3A_551 = arith.select %gt3A_548, %select_n3A_542, %select_n3A_550 : vector<16xi1>, vector<16xf32>
      %select_n3A_552 = arith.select %gt3A_549, %broadcast_in_dim3A_547, %select_n3A_539 : vector<16xi1>, vector<16xi32>
      %select_n3A_553 = arith.select %gt3A_548, %select_n3A_543, %select_n3A_552 : vector<16xi1>, vector<16xi32>
      %select_n3A_554 = arith.select %gt3A_549, %get3A_438, %select_n3A_541 : vector<16xi1>, vector<16xf32>
      %select_n3A_555 = arith.select %gt3A_548, %select_n3A_544, %select_n3A_554 : vector<16xi1>, vector<16xf32>
      %select_n3A_556 = arith.select %gt3A_548, %div3A_545, %select_n3A_542 : vector<16xi1>, vector<16xf32>
      %select_n3A_557 = arith.select %gt3A_548, %broadcast_in_dim3A_547, %select_n3A_543 : vector<16xi1>, vector<16xi32>
      %select_n3A_558 = arith.select %gt3A_548, %get3A_438, %select_n3A_544 : vector<16xi1>, vector<16xf32>
      %div3A_559 = arith.divf %exp3A_466, %add3A_473 : vector<16xf32>
      %broadcast_in_dim3A_560 = arith.constant 7 : i32
      %broadcast_in_dim3A_561 = vector.broadcast %broadcast_in_dim3A_560 : i32 to vector<16xi32>
      %gt3A_562 = arith.cmpf ogt, %div3A_559, %select_n3A_556 : vector<16xf32>
      %gt3A_563 = arith.cmpf ogt, %div3A_559, %select_n3A_551 : vector<16xf32>
      %select_n3A_564 = arith.select %gt3A_563, %div3A_559, %select_n3A_551 : vector<16xi1>, vector<16xf32>
      %select_n3A_565 = arith.select %gt3A_562, %select_n3A_556, %select_n3A_564 : vector<16xi1>, vector<16xf32>
      %select_n3A_566 = arith.select %gt3A_563, %broadcast_in_dim3A_561, %select_n3A_553 : vector<16xi1>, vector<16xi32>
      %select_n3A_567 = arith.select %gt3A_562, %select_n3A_557, %select_n3A_566 : vector<16xi1>, vector<16xi32>
      %select_n3A_568 = arith.select %gt3A_563, %get3A_443, %select_n3A_555 : vector<16xi1>, vector<16xf32>
      %select_n3A_569 = arith.select %gt3A_562, %select_n3A_558, %select_n3A_568 : vector<16xi1>, vector<16xf32>
      %select_n3A_570 = arith.select %gt3A_562, %div3A_559, %select_n3A_556 : vector<16xi1>, vector<16xf32>
      %select_n3A_571 = arith.select %gt3A_562, %broadcast_in_dim3A_561, %select_n3A_557 : vector<16xi1>, vector<16xi32>
      %select_n3A_572 = arith.select %gt3A_562, %get3A_443, %select_n3A_558 : vector<16xi1>, vector<16xf32>
      %swap3A_573 = arith.constant 0 : i32
      %swap3A_574 = arith.index_cast %swap3A_573 : i32 to index
      %swap3A_575 = arith.index_cast %add3A_403 : i32 to index
      %swap3A_576 = tpu.vector_load %arg6[%swap3A_574, %swap3A_575] {strides = array<i32>} : memref<2x1024xi32, #tpu.memory_space<vmem>>, vector<1x16xi32>,
      %swap3A_577 = vector.shape_cast %swap3A_576 : vector<1x16xi32> to vector<16xi32>
      %swap3A_578 = vector.shape_cast %select_n3A_571 : vector<16xi32> to vector<1x16xi32>
      tpu.vector_store %arg6[%swap3A_574, %swap3A_575], %swap3A_578 {strides = array<i32>} : memref<2x1024xi32, #tpu.memory_space<vmem>>, vector<1x16xi32>,
      %swap3A_579 = arith.constant 1 : i32
      %swap3A_580 = arith.index_cast %swap3A_579 : i32 to index
      %swap3A_581 = arith.index_cast %add3A_403 : i32 to index
      %swap3A_582 = tpu.vector_load %arg6[%swap3A_580, %swap3A_581] {strides = array<i32>} : memref<2x1024xi32, #tpu.memory_space<vmem>>, vector<1x16xi32>,
      %swap3A_583 = vector.shape_cast %swap3A_582 : vector<1x16xi32> to vector<16xi32>
      %swap3A_584 = vector.shape_cast %select_n3A_567 : vector<16xi32> to vector<1x16xi32>
      tpu.vector_store %arg6[%swap3A_580, %swap3A_581], %swap3A_584 {strides = array<i32>} : memref<2x1024xi32, #tpu.memory_space<vmem>>, vector<1x16xi32>,
      %swap3A_585 = arith.constant 0 : i32
      %swap3A_586 = arith.index_cast %swap3A_585 : i32 to index
      %swap3A_587 = arith.index_cast %add3A_403 : i32 to index
      %swap3A_588 = tpu.vector_load %arg7[%swap3A_586, %swap3A_587] {strides = array<i32>} : memref<2x1024xf32, #tpu.memory_space<vmem>>, vector<1x16xf32>,
      %swap3A_589 = vector.shape_cast %swap3A_588 : vector<1x16xf32> to vector<16xf32>
      %swap3A_590 = vector.shape_cast %select_n3A_572 : vector<16xf32> to vector<1x16xf32>
      tpu.vector_store %arg7[%swap3A_586, %swap3A_587], %swap3A_590 {strides = array<i32>} : memref<2x1024xf32, #tpu.memory_space<vmem>>, vector<1x16xf32>,
      %swap3A_591 = arith.constant 1 : i32
      %swap3A_592 = arith.index_cast %swap3A_591 : i32 to index
      %swap3A_593 = arith.index_cast %add3A_403 : i32 to index
      %swap3A_594 = tpu.vector_load %arg7[%swap3A_592, %swap3A_593] {strides = array<i32>} : memref<2x1024xf32, #tpu.memory_space<vmem>>, vector<1x16xf32>,
      %swap3A_595 = vector.shape_cast %swap3A_594 : vector<1x16xf32> to vector<16xf32>
      %swap3A_596 = vector.shape_cast %select_n3A_569 : vector<16xf32> to vector<1x16xf32>
      tpu.vector_store %arg7[%swap3A_592, %swap3A_593], %swap3A_596 {strides = array<i32>} : memref<2x1024xf32, #tpu.memory_space<vmem>>, vector<1x16xf32>,
      %mul3A_597 = arith.constant 64 : i32
      %mul3A_598 = arith.muli %scan3A_12, %mul3A_597 : i32
      %add3A_599 = arith.constant 48 : i32
      %add3A_600 = arith.addi %mul3A_598, %add3A_599 : i32
      %get3A_601 = arith.constant 0 : i32
      %get3A_602 = arith.index_cast %get3A_601 : i32 to index
      %get3A_603 = arith.index_cast %add3A_600 : i32 to index
      %get3A_604 = tpu.vector_load %arg5[%get3A_602, %get3A_603] {strides = array<i32>} : memref<8x1024xf32, #tpu.memory_space<vmem>>, vector<1x16xf32>,
      %get3A_605 = vector.shape_cast %get3A_604 : vector<1x16xf32> to vector<16xf32>
      %get3A_606 = arith.constant 1 : i32
      %get3A_607 = arith.index_cast %get3A_606 : i32 to index
      %get3A_608 = arith.index_cast %add3A_600 : i32 to index
      %get3A_609 = tpu.vector_load %arg5[%get3A_607, %get3A_608] {strides = array<i32>} : memref<8x1024xf32, #tpu.memory_space<vmem>>, vector<1x16xf32>,
      %get3A_610 = vector.shape_cast %get3A_609 : vector<1x16xf32> to vector<16xf32>
      %get3A_611 = arith.constant 2 : i32
      %get3A_612 = arith.index_cast %get3A_611 : i32 to index
      %get3A_613 = arith.index_cast %add3A_600 : i32 to index
      %get3A_614 = tpu.vector_load %arg5[%get3A_612, %get3A_613] {strides = array<i32>} : memref<8x1024xf32, #tpu.memory_space<vmem>>, vector<1x16xf32>,
      %get3A_615 = vector.shape_cast %get3A_614 : vector<1x16xf32> to vector<16xf32>
      %get3A_616 = arith.constant 3 : i32
      %get3A_617 = arith.index_cast %get3A_616 : i32 to index
      %get3A_618 = arith.index_cast %add3A_600 : i32 to index
      %get3A_619 = tpu.vector_load %arg5[%get3A_617, %get3A_618] {strides = array<i32>} : memref<8x1024xf32, #tpu.memory_space<vmem>>, vector<1x16xf32>,
      %get3A_620 = vector.shape_cast %get3A_619 : vector<1x16xf32> to vector<16xf32>
      %get3A_621 = arith.constant 4 : i32
      %get3A_622 = arith.index_cast %get3A_621 : i32 to index
      %get3A_623 = arith.index_cast %add3A_600 : i32 to index
      %get3A_624 = tpu.vector_load %arg5[%get3A_622, %get3A_623] {strides = array<i32>} : memref<8x1024xf32, #tpu.memory_space<vmem>>, vector<1x16xf32>,
      %get3A_625 = vector.shape_cast %get3A_624 : vector<1x16xf32> to vector<16xf32>
      %get3A_626 = arith.constant 5 : i32
      %get3A_627 = arith.index_cast %get3A_626 : i32 to index
      %get3A_628 = arith.index_cast %add3A_600 : i32 to index
      %get3A_629 = tpu.vector_load %arg5[%get3A_627, %get3A_628] {strides = array<i32>} : memref<8x1024xf32, #tpu.memory_space<vmem>>, vector<1x16xf32>,
      %get3A_630 = vector.shape_cast %get3A_629 : vector<1x16xf32> to vector<16xf32>
      %get3A_631 = arith.constant 6 : i32
      %get3A_632 = arith.index_cast %get3A_631 : i32 to index
      %get3A_633 = arith.index_cast %add3A_600 : i32 to index
      %get3A_634 = tpu.vector_load %arg5[%get3A_632, %get3A_633] {strides = array<i32>} : memref<8x1024xf32, #tpu.memory_space<vmem>>, vector<1x16xf32>,
      %get3A_635 = vector.shape_cast %get3A_634 : vector<1x16xf32> to vector<16xf32>
      %get3A_636 = arith.constant 7 : i32
      %get3A_637 = arith.index_cast %get3A_636 : i32 to index
      %get3A_638 = arith.index_cast %add3A_600 : i32 to index
      %get3A_639 = tpu.vector_load %arg5[%get3A_637, %get3A_638] {strides = array<i32>} : memref<8x1024xf32, #tpu.memory_space<vmem>>, vector<1x16xf32>,
      %get3A_640 = vector.shape_cast %get3A_639 : vector<1x16xf32> to vector<16xf32>
      %max3A_641 = arith.maximumf %get3A_605, %get3A_610 : vector<16xf32>
      %max3A_642 = arith.maximumf %get3A_615, %get3A_620 : vector<16xf32>
      %max3A_643 = arith.maximumf %get3A_625, %get3A_630 : vector<16xf32>
      %max3A_644 = arith.maximumf %get3A_635, %get3A_640 : vector<16xf32>
      %max3A_645 = arith.maximumf %max3A_641, %max3A_642 : vector<16xf32>
      %max3A_646 = arith.maximumf %max3A_643, %max3A_644 : vector<16xf32>
      %max3A_647 = arith.maximumf %max3A_645, %max3A_646 : vector<16xf32>
      %sub3A_648 = arith.subf %get3A_605, %max3A_647 : vector<16xf32>
      %exp3A_649 = math.exp %sub3A_648 : vector<16xf32>
      %sub3A_650 = arith.subf %get3A_610, %max3A_647 : vector<16xf32>
      %exp3A_651 = math.exp %sub3A_650 : vector<16xf32>
      %sub3A_652 = arith.subf %get3A_615, %max3A_647 : vector<16xf32>
      %exp3A_653 = math.exp %sub3A_652 : vector<16xf32>
      %sub3A_654 = arith.subf %get3A_620, %max3A_647 : vector<16xf32>
      %exp3A_655 = math.exp %sub3A_654 : vector<16xf32>
      %sub3A_656 = arith.subf %get3A_625, %max3A_647 : vector<16xf32>
      %exp3A_657 = math.exp %sub3A_656 : vector<16xf32>
      %sub3A_658 = arith.subf %get3A_630, %max3A_647 : vector<16xf32>
      %exp3A_659 = math.exp %sub3A_658 : vector<16xf32>
      %sub3A_660 = arith.subf %get3A_635, %max3A_647 : vector<16xf32>
      %exp3A_661 = math.exp %sub3A_660 : vector<16xf32>
      %sub3A_662 = arith.subf %get3A_640, %max3A_647 : vector<16xf32>
      %exp3A_663 = math.exp %sub3A_662 : vector<16xf32>
      %add3A_664 = arith.addf %exp3A_649, %exp3A_651 : vector<16xf32>
      %add3A_665 = arith.addf %exp3A_653, %exp3A_655 : vector<16xf32>
      %add3A_666 = arith.addf %exp3A_657, %exp3A_659 : vector<16xf32>
      %add3A_667 = arith.addf %exp3A_661, %exp3A_663 : vector<16xf32>
      %add3A_668 = arith.addf %add3A_664, %add3A_665 : vector<16xf32>
      %add3A_669 = arith.addf %add3A_666, %add3A_667 : vector<16xf32>
      %add3A_670 = arith.addf %add3A_668, %add3A_669 : vector<16xf32>
      %div3A_671 = arith.divf %exp3A_649, %add3A_670 : vector<16xf32>
      %div3A_672 = arith.divf %exp3A_651, %add3A_670 : vector<16xf32>
      %broadcast_in_dim3A_673 = arith.constant 1 : i32
      %broadcast_in_dim3A_674 = vector.broadcast %broadcast_in_dim3A_673 : i32 to vector<16xi32>
      %gt3A_675 = arith.cmpf ogt, %div3A_672, %div3A_671 : vector<16xf32>
      %gt3A_676 = arith.cmpf ogt, %div3A_672, %broadcast_in_dim3A_3 : vector<16xf32>
      %select_n3A_677 = arith.select %gt3A_676, %div3A_672, %broadcast_in_dim3A_3 : vector<16xi1>, vector<16xf32>
      %select_n3A_678 = arith.select %gt3A_675, %div3A_671, %select_n3A_677 : vector<16xi1>, vector<16xf32>
      %select_n3A_679 = arith.select %gt3A_676, %broadcast_in_dim3A_674, %broadcast_in_dim3A_5 : vector<16xi1>, vector<16xi32>
      %select_n3A_680 = arith.select %gt3A_675, %broadcast_in_dim3A_5, %select_n3A_679 : vector<16xi1>, vector<16xi32>
      %select_n3A_681 = arith.select %gt3A_676, %get3A_610, %broadcast_in_dim3A_3 : vector<16xi1>, vector<16xf32>
      %select_n3A_682 = arith.select %gt3A_675, %get3A_605, %select_n3A_681 : vector<16xi1>, vector<16xf32>
      %select_n3A_683 = arith.select %gt3A_675, %div3A_672, %div3A_671 : vector<16xi1>, vector<16xf32>
      %select_n3A_684 = arith.select %gt3A_675, %broadcast_in_dim3A_674, %broadcast_in_dim3A_5 : vector<16xi1>, vector<16xi32>
      %select_n3A_685 = arith.select %gt3A_675, %get3A_610, %get3A_605 : vector<16xi1>, vector<16xf32>
      %div3A_686 = arith.divf %exp3A_653, %add3A_670 : vector<16xf32>
      %broadcast_in_dim3A_687 = arith.constant 2 : i32
      %broadcast_in_dim3A_688 = vector.broadcast %broadcast_in_dim3A_687 : i32 to vector<16xi32>
      %gt3A_689 = arith.cmpf ogt, %div3A_686, %select_n3A_683 : vector<16xf32>
      %gt3A_690 = arith.cmpf ogt, %div3A_686, %select_n3A_678 : vector<16xf32>
      %select_n3A_691 = arith.select %gt3A_690, %div3A_686, %select_n3A_678 : vector<16xi1>, vector<16xf32>
      %select_n3A_692 = arith.select %gt3A_689, %select_n3A_683, %select_n3A_691 : vector<16xi1>, vector<16xf32>
      %select_n3A_693 = arith.select %gt3A_690, %broadcast_in_dim3A_688, %select_n3A_680 : vector<16xi1>, vector<16xi32>
      %select_n3A_694 = arith.select %gt3A_689, %select_n3A_684, %select_n3A_693 : vector<16xi1>, vector<16xi32>
      %select_n3A_695 = arith.select %gt3A_690, %get3A_615, %select_n3A_682 : vector<16xi1>, vector<16xf32>
      %select_n3A_696 = arith.select %gt3A_689, %select_n3A_685, %select_n3A_695 : vector<16xi1>, vector<16xf32>
      %select_n3A_697 = arith.select %gt3A_689, %div3A_686, %select_n3A_683 : vector<16xi1>, vector<16xf32>
      %select_n3A_698 = arith.select %gt3A_689, %broadcast_in_dim3A_688, %select_n3A_684 : vector<16xi1>, vector<16xi32>
      %select_n3A_699 = arith.select %gt3A_689, %get3A_615, %select_n3A_685 : vector<16xi1>, vector<16xf32>
      %div3A_700 = arith.divf %exp3A_655, %add3A_670 : vector<16xf32>
      %broadcast_in_dim3A_701 = arith.constant 3 : i32
      %broadcast_in_dim3A_702 = vector.broadcast %broadcast_in_dim3A_701 : i32 to vector<16xi32>
      %gt3A_703 = arith.cmpf ogt, %div3A_700, %select_n3A_697 : vector<16xf32>
      %gt3A_704 = arith.cmpf ogt, %div3A_700, %select_n3A_692 : vector<16xf32>
      %select_n3A_705 = arith.select %gt3A_704, %div3A_700, %select_n3A_692 : vector<16xi1>, vector<16xf32>
      %select_n3A_706 = arith.select %gt3A_703, %select_n3A_697, %select_n3A_705 : vector<16xi1>, vector<16xf32>
      %select_n3A_707 = arith.select %gt3A_704, %broadcast_in_dim3A_702, %select_n3A_694 : vector<16xi1>, vector<16xi32>
      %select_n3A_708 = arith.select %gt3A_703, %select_n3A_698, %select_n3A_707 : vector<16xi1>, vector<16xi32>
      %select_n3A_709 = arith.select %gt3A_704, %get3A_620, %select_n3A_696 : vector<16xi1>, vector<16xf32>
      %select_n3A_710 = arith.select %gt3A_703, %select_n3A_699, %select_n3A_709 : vector<16xi1>, vector<16xf32>
      %select_n3A_711 = arith.select %gt3A_703, %div3A_700, %select_n3A_697 : vector<16xi1>, vector<16xf32>
      %select_n3A_712 = arith.select %gt3A_703, %broadcast_in_dim3A_702, %select_n3A_698 : vector<16xi1>, vector<16xi32>
      %select_n3A_713 = arith.select %gt3A_703, %get3A_620, %select_n3A_699 : vector<16xi1>, vector<16xf32>
      %div3A_714 = arith.divf %exp3A_657, %add3A_670 : vector<16xf32>
      %broadcast_in_dim3A_715 = arith.constant 4 : i32
      %broadcast_in_dim3A_716 = vector.broadcast %broadcast_in_dim3A_715 : i32 to vector<16xi32>
      %gt3A_717 = arith.cmpf ogt, %div3A_714, %select_n3A_711 : vector<16xf32>
      %gt3A_718 = arith.cmpf ogt, %div3A_714, %select_n3A_706 : vector<16xf32>
      %select_n3A_719 = arith.select %gt3A_718, %div3A_714, %select_n3A_706 : vector<16xi1>, vector<16xf32>
      %select_n3A_720 = arith.select %gt3A_717, %select_n3A_711, %select_n3A_719 : vector<16xi1>, vector<16xf32>
      %select_n3A_721 = arith.select %gt3A_718, %broadcast_in_dim3A_716, %select_n3A_708 : vector<16xi1>, vector<16xi32>
      %select_n3A_722 = arith.select %gt3A_717, %select_n3A_712, %select_n3A_721 : vector<16xi1>, vector<16xi32>
      %select_n3A_723 = arith.select %gt3A_718, %get3A_625, %select_n3A_710 : vector<16xi1>, vector<16xf32>
      %select_n3A_724 = arith.select %gt3A_717, %select_n3A_713, %select_n3A_723 : vector<16xi1>, vector<16xf32>
      %select_n3A_725 = arith.select %gt3A_717, %div3A_714, %select_n3A_711 : vector<16xi1>, vector<16xf32>
      %select_n3A_726 = arith.select %gt3A_717, %broadcast_in_dim3A_716, %select_n3A_712 : vector<16xi1>, vector<16xi32>
      %select_n3A_727 = arith.select %gt3A_717, %get3A_625, %select_n3A_713 : vector<16xi1>, vector<16xf32>
      %div3A_728 = arith.divf %exp3A_659, %add3A_670 : vector<16xf32>
      %broadcast_in_dim3A_729 = arith.constant 5 : i32
      %broadcast_in_dim3A_730 = vector.broadcast %broadcast_in_dim3A_729 : i32 to vector<16xi32>
      %gt3A_731 = arith.cmpf ogt, %div3A_728, %select_n3A_725 : vector<16xf32>
      %gt3A_732 = arith.cmpf ogt, %div3A_728, %select_n3A_720 : vector<16xf32>
      %select_n3A_733 = arith.select %gt3A_732, %div3A_728, %select_n3A_720 : vector<16xi1>, vector<16xf32>
      %select_n3A_734 = arith.select %gt3A_731, %select_n3A_725, %select_n3A_733 : vector<16xi1>, vector<16xf32>
      %select_n3A_735 = arith.select %gt3A_732, %broadcast_in_dim3A_730, %select_n3A_722 : vector<16xi1>, vector<16xi32>
      %select_n3A_736 = arith.select %gt3A_731, %select_n3A_726, %select_n3A_735 : vector<16xi1>, vector<16xi32>
      %select_n3A_737 = arith.select %gt3A_732, %get3A_630, %select_n3A_724 : vector<16xi1>, vector<16xf32>
      %select_n3A_738 = arith.select %gt3A_731, %select_n3A_727, %select_n3A_737 : vector<16xi1>, vector<16xf32>
      %select_n3A_739 = arith.select %gt3A_731, %div3A_728, %select_n3A_725 : vector<16xi1>, vector<16xf32>
      %select_n3A_740 = arith.select %gt3A_731, %broadcast_in_dim3A_730, %select_n3A_726 : vector<16xi1>, vector<16xi32>
      %select_n3A_741 = arith.select %gt3A_731, %get3A_630, %select_n3A_727 : vector<16xi1>, vector<16xf32>
      %div3A_742 = arith.divf %exp3A_661, %add3A_670 : vector<16xf32>
      %broadcast_in_dim3A_743 = arith.constant 6 : i32
      %broadcast_in_dim3A_744 = vector.broadcast %broadcast_in_dim3A_743 : i32 to vector<16xi32>
      %gt3A_745 = arith.cmpf ogt, %div3A_742, %select_n3A_739 : vector<16xf32>
      %gt3A_746 = arith.cmpf ogt, %div3A_742, %select_n3A_734 : vector<16xf32>
      %select_n3A_747 = arith.select %gt3A_746, %div3A_742, %select_n3A_734 : vector<16xi1>, vector<16xf32>
      %select_n3A_748 = arith.select %gt3A_745, %select_n3A_739, %select_n3A_747 : vector<16xi1>, vector<16xf32>
      %select_n3A_749 = arith.select %gt3A_746, %broadcast_in_dim3A_744, %select_n3A_736 : vector<16xi1>, vector<16xi32>
      %select_n3A_750 = arith.select %gt3A_745, %select_n3A_740, %select_n3A_749 : vector<16xi1>, vector<16xi32>
      %select_n3A_751 = arith.select %gt3A_746, %get3A_635, %select_n3A_738 : vector<16xi1>, vector<16xf32>
      %select_n3A_752 = arith.select %gt3A_745, %select_n3A_741, %select_n3A_751 : vector<16xi1>, vector<16xf32>
      %select_n3A_753 = arith.select %gt3A_745, %div3A_742, %select_n3A_739 : vector<16xi1>, vector<16xf32>
      %select_n3A_754 = arith.select %gt3A_745, %broadcast_in_dim3A_744, %select_n3A_740 : vector<16xi1>, vector<16xi32>
      %select_n3A_755 = arith.select %gt3A_745, %get3A_635, %select_n3A_741 : vector<16xi1>, vector<16xf32>
      %div3A_756 = arith.divf %exp3A_663, %add3A_670 : vector<16xf32>
      %broadcast_in_dim3A_757 = arith.constant 7 : i32
      %broadcast_in_dim3A_758 = vector.broadcast %broadcast_in_dim3A_757 : i32 to vector<16xi32>
      %gt3A_759 = arith.cmpf ogt, %div3A_756, %select_n3A_753 : vector<16xf32>
      %gt3A_760 = arith.cmpf ogt, %div3A_756, %select_n3A_748 : vector<16xf32>
      %select_n3A_761 = arith.select %gt3A_760, %div3A_756, %select_n3A_748 : vector<16xi1>, vector<16xf32>
      %select_n3A_762 = arith.select %gt3A_759, %select_n3A_753, %select_n3A_761 : vector<16xi1>, vector<16xf32>
      %select_n3A_763 = arith.select %gt3A_760, %broadcast_in_dim3A_758, %select_n3A_750 : vector<16xi1>, vector<16xi32>
      %select_n3A_764 = arith.select %gt3A_759, %select_n3A_754, %select_n3A_763 : vector<16xi1>, vector<16xi32>
      %select_n3A_765 = arith.select %gt3A_760, %get3A_640, %select_n3A_752 : vector<16xi1>, vector<16xf32>
      %select_n3A_766 = arith.select %gt3A_759, %select_n3A_755, %select_n3A_765 : vector<16xi1>, vector<16xf32>
      %select_n3A_767 = arith.select %gt3A_759, %div3A_756, %select_n3A_753 : vector<16xi1>, vector<16xf32>
      %select_n3A_768 = arith.select %gt3A_759, %broadcast_in_dim3A_758, %select_n3A_754 : vector<16xi1>, vector<16xi32>
      %select_n3A_769 = arith.select %gt3A_759, %get3A_640, %select_n3A_755 : vector<16xi1>, vector<16xf32>
      %swap3A_770 = arith.constant 0 : i32
      %swap3A_771 = arith.index_cast %swap3A_770 : i32 to index
      %swap3A_772 = arith.index_cast %add3A_600 : i32 to index
      %swap3A_773 = tpu.vector_load %arg6[%swap3A_771, %swap3A_772] {strides = array<i32>} : memref<2x1024xi32, #tpu.memory_space<vmem>>, vector<1x16xi32>,
      %swap3A_774 = vector.shape_cast %swap3A_773 : vector<1x16xi32> to vector<16xi32>
      %swap3A_775 = vector.shape_cast %select_n3A_768 : vector<16xi32> to vector<1x16xi32>
      tpu.vector_store %arg6[%swap3A_771, %swap3A_772], %swap3A_775 {strides = array<i32>} : memref<2x1024xi32, #tpu.memory_space<vmem>>, vector<1x16xi32>,
      %swap3A_776 = arith.constant 1 : i32
      %swap3A_777 = arith.index_cast %swap3A_776 : i32 to index
      %swap3A_778 = arith.index_cast %add3A_600 : i32 to index
      %swap3A_779 = tpu.vector_load %arg6[%swap3A_777, %swap3A_778] {strides = array<i32>} : memref<2x1024xi32, #tpu.memory_space<vmem>>, vector<1x16xi32>,
      %swap3A_780 = vector.shape_cast %swap3A_779 : vector<1x16xi32> to vector<16xi32>
      %swap3A_781 = vector.shape_cast %select_n3A_764 : vector<16xi32> to vector<1x16xi32>
      tpu.vector_store %arg6[%swap3A_777, %swap3A_778], %swap3A_781 {strides = array<i32>} : memref<2x1024xi32, #tpu.memory_space<vmem>>, vector<1x16xi32>,
      %swap3A_782 = arith.constant 0 : i32
      %swap3A_783 = arith.index_cast %swap3A_782 : i32 to index
      %swap3A_784 = arith.index_cast %add3A_600 : i32 to index
      %swap3A_785 = tpu.vector_load %arg7[%swap3A_783, %swap3A_784] {strides = array<i32>} : memref<2x1024xf32, #tpu.memory_space<vmem>>, vector<1x16xf32>,
      %swap3A_786 = vector.shape_cast %swap3A_785 : vector<1x16xf32> to vector<16xf32>
      %swap3A_787 = vector.shape_cast %select_n3A_769 : vector<16xf32> to vector<1x16xf32>
      tpu.vector_store %arg7[%swap3A_783, %swap3A_784], %swap3A_787 {strides = array<i32>} : memref<2x1024xf32, #tpu.memory_space<vmem>>, vector<1x16xf32>,
      %swap3A_788 = arith.constant 1 : i32
      %swap3A_789 = arith.index_cast %swap3A_788 : i32 to index
      %swap3A_790 = arith.index_cast %add3A_600 : i32 to index
      %swap3A_791 = tpu.vector_load %arg7[%swap3A_789, %swap3A_790] {strides = array<i32>} : memref<2x1024xf32, #tpu.memory_space<vmem>>, vector<1x16xf32>,
      %swap3A_792 = vector.shape_cast %swap3A_791 : vector<1x16xf32> to vector<16xf32>
      %swap3A_793 = vector.shape_cast %select_n3A_766 : vector<16xf32> to vector<1x16xf32>
      tpu.vector_store %arg7[%swap3A_789, %swap3A_790], %swap3A_793 {strides = array<i32>} : memref<2x1024xf32, #tpu.memory_space<vmem>>, vector<1x16xf32>,
      %scan3A_794 = arith.constant 0 : i32
      scf.yield %scan3A_794 : i32
    }
    %scan3A_11 = arith.constant 16 : i32
    "tpu.region"() ({
      %run_scoped3A = tpu.sem_alloc : memref<!tpu.dma_semaphore, #tpu.memory_space<semaphore_mem>>
      %dma_start3A = arith.constant 0 : i32
      %dma_start3A_12 = tpu.memref_slice %arg3[%dma_start3A, %mul3A_2] : memref<2x32768xi32, #tpu.memory_space<hbm>> -> memref<2x1024xi32, #tpu.memory_space<hbm>>
      %dma_start3A_13 = arith.constant 0 : i32
      %dma_start3A_14 = tpu.memref_slice %arg3[%dma_start3A_13, %mul3A_2] : memref<2x32768xi32, #tpu.memory_space<hbm>> -> memref<2x1024xi32, #tpu.memory_space<hbm>>
      tpu.enqueue_dma source(%arg6 : memref<2x1024xi32, #tpu.memory_space<vmem>>) target(%dma_start3A_14 : memref<2x1024xi32, #tpu.memory_space<hbm>>) target_semaphore(%run_scoped3A : memref<!tpu.dma_semaphore, #tpu.memory_space<semaphore_mem>>)
      %dma_wait3A = arith.constant 0 : i32
      %dma_wait3A_15 = tpu.memref_slice %arg3[%dma_wait3A, %mul3A_2] : memref<2x32768xi32, #tpu.memory_space<hbm>> -> memref<2x1024xi32, #tpu.memory_space<hbm>>
      %dma_wait3A_16 = arith.constant 0 : i32
      %dma_wait3A_17 = tpu.memref_slice %arg3[%dma_wait3A_16, %mul3A_2] : memref<2x32768xi32, #tpu.memory_space<hbm>> -> memref<2x1024xi32, #tpu.memory_space<hbm>>
      tpu.wait_dma2 semaphore(%run_scoped3A : memref<!tpu.dma_semaphore, #tpu.memory_space<semaphore_mem>>) src(%arg6 : memref<2x1024xi32, #tpu.memory_space<vmem>>) dst(%dma_wait3A_17 : memref<2x1024xi32, #tpu.memory_space<hbm>>)
      tpu.yield
    }) : () -> ()
    "tpu.region"() ({
      %run_scoped3A = tpu.sem_alloc : memref<!tpu.dma_semaphore, #tpu.memory_space<semaphore_mem>>
      %dma_start3A = arith.constant 0 : i32
      %dma_start3A_12 = tpu.memref_slice %arg4[%dma_start3A, %mul3A_2] : memref<2x32768xf32, #tpu.memory_space<hbm>> -> memref<2x1024xf32, #tpu.memory_space<hbm>>
      %dma_start3A_13 = arith.constant 0 : i32
      %dma_start3A_14 = tpu.memref_slice %arg4[%dma_start3A_13, %mul3A_2] : memref<2x32768xf32, #tpu.memory_space<hbm>> -> memref<2x1024xf32, #tpu.memory_space<hbm>>
      tpu.enqueue_dma source(%arg7 : memref<2x1024xf32, #tpu.memory_space<vmem>>) target(%dma_start3A_14 : memref<2x1024xf32, #tpu.memory_space<hbm>>) target_semaphore(%run_scoped3A : memref<!tpu.dma_semaphore, #tpu.memory_space<semaphore_mem>>)
      %dma_wait3A = arith.constant 0 : i32
      %dma_wait3A_15 = tpu.memref_slice %arg4[%dma_wait3A, %mul3A_2] : memref<2x32768xf32, #tpu.memory_space<hbm>> -> memref<2x1024xf32, #tpu.memory_space<hbm>>
      %dma_wait3A_16 = arith.constant 0 : i32
      %dma_wait3A_17 = tpu.memref_slice %arg4[%dma_wait3A_16, %mul3A_2] : memref<2x32768xf32, #tpu.memory_space<hbm>> -> memref<2x1024xf32, #tpu.memory_space<hbm>>
      tpu.wait_dma2 semaphore(%run_scoped3A : memref<!tpu.dma_semaphore, #tpu.memory_space<semaphore_mem>>) src(%arg7 : memref<2x1024xf32, #tpu.memory_space<vmem>>) dst(%dma_wait3A_17 : memref<2x1024xf32, #tpu.memory_space<hbm>>)
      tpu.yield
    }) : () -> ()
    return
  }
}

module attributes {stable_mosaic.version = 14 : i64} {
  func.func @_matmul_body(%arg0: i32, %arg1: memref<1024x2048xf32, #tpu.memory_space<vmem>>, %arg2: memref<8x2048xf32, #tpu.memory_space<vmem>>, %arg3: memref<8x1024xf32, #tpu.memory_space<vmem>>) attributes {dimension_semantics = [#tpu.dimension_semantics<arbitrary>], iteration_bounds = array<i64: 32>, scalar_prefetch = 0 : i64, scratch_operands = 0 : i64, tpu.core_type = #tpu.core_type<tc>, window_params = [{transform_indices = @transform_0, window_bounds = array<i64: 1024, 2048>}, {pipeline_mode = #tpu.pipeline_mode<synchronous>, transform_indices = @transform_1, window_bounds = array<i64: 8, 2048>}, {transform_indices = @transform_2, window_bounds = array<i64: 8, 1024>}]} {
    %get3A = arith.constant 0 : index
    %get3A_0 = arith.constant 0 : index
    %get3A_1 = vector.load %arg2[%get3A, %get3A_0] : memref<8x2048xf32, #tpu.memory_space<vmem>>, vector<8x2048xf32>
    %get3A_2 = arith.constant 0 : index
    %get3A_3 = arith.constant 0 : index
    %get3A_4 = vector.load %arg1[%get3A_2, %get3A_3] : memref<1024x2048xf32, #tpu.memory_space<vmem>>, vector<1024x2048xf32>
    %dot_general3A = arith.constant dense<0.000000e+00> : vector<8x1024xf32>
    %dot_general3A_5 = tpu.matmul %get3A_1, %get3A_4, %dot_general3A {dimension_numbers = #tpu.dot_dimension_numbers<[1], [1], [0], [0], [0, 0, 1, 0], [], []>, transpose_lhs_hint = false} : vector<8x2048xf32>, vector<1024x2048xf32>, vector<8x1024xf32> -> vector<8x1024xf32>
    %swap3A = arith.constant 0 : index
    %swap3A_6 = arith.constant 0 : index
    %swap3A_7 = vector.load %arg3[%swap3A, %swap3A_6] : memref<8x1024xf32, #tpu.memory_space<vmem>>, vector<8x1024xf32>
    tpu.vector_store %arg3[%swap3A, %swap3A_6], %dot_general3A_5 {strides = array<i32>} : memref<8x1024xf32, #tpu.memory_space<vmem>>, vector<8x1024xf32>,
    return
  }
  func.func @transform_0(%arg0: i32) -> (i32, i32) {
    %c0_i32 = arith.constant 0 : i32
    %c0_i32_0 = arith.constant 0 : i32
    return %arg0, %c0_i32 : i32, i32
  }
  func.func @transform_1(%arg0: i32) -> (i32, i32) {
    %c0_i32 = arith.constant 0 : i32
    %c0_i32_0 = arith.constant 0 : i32
    %c0_i32_1 = arith.constant 0 : i32
    return %c0_i32, %c0_i32_0 : i32, i32
  }
  func.func @transform_2(%arg0: i32) -> (i32, i32) {
    %c0_i32 = arith.constant 0 : i32
    %c0_i32_0 = arith.constant 0 : i32
    return %c0_i32, %arg0 : i32, i32
  }
}

</mosaic_0001>

<sc_bundles>
// kernel: kernel.4.cloned.1.call-start
scs
__scs_entry_jumppad:
0x0: {  	(pc) =	sbr.rel $0x88, $3  }
0x1: {  	(tag) =	ssettag $0x0;
	lr =	simm.s32 $0x1  }
0x2: {  	[smem:$0x3F9F] =	sst lr;
	_ =	strace $0xD0000000  }
0x3: {  	_ = 	snop  }
0x4: {  	_ = 	snop  }
0x5: {  	_ = 	snop  }
0x6: {  	_ = 	snop  }
0x7: {  	_ = 	snop  }
__scs_overlays_trampoline_lowered:
0x8: {  	[smem:$0x3FAE] =	sst s0  }
0x9: {  	[smem:$0x3FAF] =	sst s1  }
0xa: {  	[smem:$0x3FB0] =	sst s2  }
0xb: {  	[smem:$0x3FB1] =	sst s3  }
0xc: {  	[smem:$0x3FB2] =	sst s4  }
0xd: {  	[smem:$0x3FB3] =	sst s5  }
0xe: {  	[smem:$0x3FB4] =	sst s6  }
0xf: {  	[smem:$0x3FB5] =	sst s7  }
0x10: {  	[smem:$0x3FB6] =	sst s8  }
0x11: {  	[smem:$0x3FB7] =	sst s9;
	s0 =	simm.s32 @!p0 $0x0  }
0x12: {  	s1 =	sld [smem:$0x3F9D];
	s0 =	simm.s32 @p0 $0x1  }
0x13: {  	[smem:$0x3FB8] =	sst s0;
	s0 =	simm.s32 @!p1 $0x0  }
0x14: {  	s2 =	sld [smem:$0x3F9C];
	s0 =	simm.s32 @p1 $0x1  }
0x15: {  	[smem:$0x3FB9] =	sst s0;
	s0 =	simm.s32 @!p2 $0x0  }
0x16: {  	s3 =	sld [smem:$0x3FDB];
	s0 =	simm.s32 @p2 $0x1  }
0x17: {  	s4 =	simm.s32 $0x1BF5;
	[smem:$0x3FBB] =	sst s0  }
0x18: {  	s0 =	sld [smem:$0x3F9E];
	_ =	swait.ge [sflag:s4], $0x0  }
0x19: {  	s7 =	sld [smem:$0x3F9F]  }
0x1a: {  	s8 =	sadd.s32 $0xFFFFE003, lr  }
0x1b: {  	s9 =	sadd.s32 $0xFFFFFEF7, lr;
	s5 =	simm.s32 $0xFFFFFFFF;
	p2 =	slt.u32 s8, $0xFFFFF086  }
0x1c: {  	p1 =	slt.u32 s9, $0xF7A;
	s5 =	simm.s32 @!p2 $0x0  }
0x1d: {  	s5 =	simm.s32 @p1 $0x1;
	p0 =	seq.s32 s7, s2  }
0x1e: {  	s7 =	smul.u32 @!p0 $0xF7A, s2;
	p2 =	seq.s32 @!p0 s5, $0x0  }
0x1f: {  	s9 =	smul.u32 $0xF7A, s1;
	s8 =	simm.s32 @!p0 $0x1BF5;
	p2 =	por !p2, p0  }
0x20: {  	[sflag:s8] =	ssyncset.s32 @!p0 $0xFFFFF086;
	s6 =	sadd.s32 @!p0 s3, s7;
	s7 =	simm.s32 @!p0 $0x108  }
0x21: {  	s3 =	sadd.s32 s3, s9;
	s6 =	sadd.s32 @!p0 $0x88, s6;
	s7 =	simm.s32 @p2 $0x1082  }
0x22: {  	[simem:s7], [sflag:s8] =	dma.local @!p0 [hbm:s6], $0xF7A  }
0x23: {  	s9 =	sor.u32 $0xD0000000, s2;
	s6 =	simm.s32 $0x108;
	_ =	swait.ge @!p0 [sflag:s8], $0x0  }
0x24: {  	s3 =	sadd.s32 $0x88, s3;
	s6 =	simm.s32 @!p1 $0x1082;
	[sflag:s4] =	ssyncset.s32 $0xFFFFF086  }
0x25: {  	[simem:s6], [sflag:s4] =	dma.local [hbm:s3], $0xF7A  }
0x26: {  	[smem:$0x3F9F] =	sst s1;
	(tag) =	ssettag s2;
	_ =	strace s9  }
0x27: {  	s1 =	sld [smem:$0x3FAF]  }
0x28: {  	s2 =	sld [smem:$0x3FB0]  }
0x29: {  	s4 =	sld [smem:$0x3FB2]  }
0x2a: {  	p0 =	seq.s32 s5, $0x0;
	s5 =	sld [smem:$0x3FB3]  }
0x2b: {  	s6 =	sld [smem:$0x3FB4]  }
0x2c: {  	s7 =	sld [smem:$0x3FB5]  }
0x2d: {  	s3 =	simm.s32 $0x108;
	s8 =	sld [smem:$0x3FB6]  }
0x2e: {  	s3 =	simm.s32 @!p0 $0x1082;
	s9 =	sld [smem:$0x3FB7]  }
0x2f: {  	lr =	sadd.s32 s0, s3;
	s0 =	sld [smem:$0x3FAE]  }
0x30: {  	s3 =	sld [smem:$0x3FB1]  }
0x31: {  	[smem:$0x3FBA] =	sst s10  }
0x32: {  	s10 =	sld [smem:$0x3FB8];
	_ =	sdelay $0x3  }
0x33: {  	p0 =	seq.s32 s10, $0x1;
	s10 =	sld [smem:$0x3FBA];
	_ =	sdelay $0x3  }
0x34: {  	[smem:$0x3FBA] =	sst s10  }
0x35: {  	s10 =	sld [smem:$0x3FB9];
	_ =	sdelay $0x3  }
0x36: {  	p1 =	seq.s32 s10, $0x1;
	s10 =	sld [smem:$0x3FBA];
	_ =	sdelay $0x3  }
0x37: {  	[smem:$0x3FBA] =	sst s10  }
0x38: {  	s10 =	sld [smem:$0x3FBB]  }
0x39: {  	_ = 	snop;
	(pc) =	sbr.ind lr, $3  }
0x3a: {  	_ = 	snop  }
0x3b: {  	_ = 	snop  }
0x3c: {  	p2 =	seq.s32 s10, $0x1;
	s10 =	sld [smem:$0x3FBA]  }
0x3d: {  	_ =	shalt  }
0x3e: {  	_ =	shalt  }
0x3f: {  	_ =	shalt  }
0x40: {  	_ =	shalt  }
0x41: {  	_ =	shalt  }
0x42: {  	_ =	shalt  }
0x43: {  	_ =	shalt  }
0x44: {  	_ =	shalt  }
0x45: {  	_ =	shalt  }
0x46: {  	_ =	shalt  }
0x47: {  	_ =	shalt  }
0x48: {  	_ =	shalt  }
0x49: {  	_ =	shalt  }
0x4a: {  	_ =	shalt  }
0x4b: {  	_ =	shalt  }
0x4c: {  	_ =	shalt  }
0x4d: {  	_ =	shalt  }
0x4e: {  	_ =	shalt  }
0x4f: {  	_ =	shalt  }
0x50: {  	_ =	shalt  }
0x51: {  	_ =	shalt  }
0x52: {  	_ =	shalt  }
0x53: {  	_ =	shalt  }
0x54: {  	_ =	shalt  }
0x55: {  	_ =	shalt  }
0x56: {  	_ =	shalt  }
0x57: {  	_ =	shalt  }
0x58: {  	_ =	shalt  }
0x59: {  	_ =	shalt  }
0x5a: {  	_ =	shalt  }
0x5b: {  	_ =	shalt  }
0x5c: {  	_ =	shalt  }
0x5d: {  	_ =	shalt  }
0x5e: {  	_ =	shalt  }
0x5f: {  	_ =	shalt  }
0x60: {  	_ =	shalt  }
0x61: {  	_ =	shalt  }
0x62: {  	_ =	shalt  }
0x63: {  	_ =	shalt  }
0x64: {  	_ =	shalt  }
0x65: {  	_ =	shalt  }
0x66: {  	_ =	shalt  }
0x67: {  	_ =	shalt  }
0x68: {  	_ =	shalt  }
0x69: {  	_ =	shalt  }
0x6a: {  	_ =	shalt  }
0x6b: {  	_ =	shalt  }
0x6c: {  	_ =	shalt  }
0x6d: {  	_ =	shalt  }
0x6e: {  	_ =	shalt  }
0x6f: {  	_ =	shalt  }
0x70: {  	_ =	shalt  }
0x71: {  	_ =	shalt  }
0x72: {  	_ =	shalt  }
0x73: {  	_ =	shalt  }
0x74: {  	_ =	shalt  }
0x75: {  	_ =	shalt  }
0x76: {  	_ =	shalt  }
0x77: {  	_ =	shalt  }
0x78: {  	_ =	shalt  }
0x79: {  	_ =	shalt  }
0x7a: {  	_ =	shalt  }
0x7b: {  	_ =	shalt  }
0x7c: {  	_ =	shalt  }
0x7d: {  	_ =	shalt  }
0x7e: {  	_ =	shalt  }
0x7f: {  	_ =	shalt  }
0x80: {  	_ =	shalt  }
0x81: {  	_ =	shalt  }
0x82: {  	_ =	shalt  }
0x83: {  	_ =	shalt  }
0x84: {  	_ =	shalt  }
0x85: {  	_ =	shalt  }
0x86: {  	_ =	shalt  }
0x87: {  	_ =	shalt  }
.Lfunc_end0:
.L_simem_size_0:
called_computation_lowered:
.L_overlay_start_0:
0x88: {  	s2 =	sld [smem:$0x3FD9]  }
0x89: {  	s3 =	sld [smem:$0x3FFE];
	_ =	sdelay $0x1  }
0x8a: {  	s1 =	srdreg.scid  }
0x8b: {  	s0 =	sand.u32 $0x1, s1  }
0x8c: {  	s14 =	sshll.u32 s0, $0xA;
	s2 =	sadd.s32 s3, s2  }
0x8d: {  	s2 =	sadd.s32 s2, s14  }
0x8e: {  	[smem:$0x3FC6] =	sst s2  }
0x8f: {  	_ = 	snop  }
0x90: {  	s2 =	sld [smem:$0x3FD0];
	_ =	sdelay $0x2  }
0x91: {  	s15 =	simm.s32 $0xA;
	s4 =	simm.s32 $0x10  }
0x92: {  	[smem:s4], [sflag:s15] =	dma.local [hbm:s2], $0x1  }
0x93: {  	_ =	swait.eq [sflag:s15], $0x1  }
0x94: {  	[sflag:s15] =	ssyncset.done $0x0  }
0x95: {  	s16 =	sld [smem:$0x10];
	[sflag:s15] =	ssyncadd.s32 $0xFFFFFFFF  }
0x96: {  	s17 =	sld [smem:$0x11];
	(tm) =	ssettm $0x1  }
0x97: {  	s18 =	sld [smem:$0x3FFB];
	_ =	sdelay $0x3  }
0x98: {  	_ =	strace s18  }
0x99: {  	s4 =	sld [smem:$0x3FFC];
	_ =	sdelay $0x3  }
0x9a: {  	_ =	strace s4  }
0x9b: {  	s4 =	sld [smem:$0x3FFD];
	_ =	sdelay $0x3  }
0x9c: {  	_ =	strace s4  }
0x9d: {  	_ =	strace $0x8FFFFFFF  }
0x9e: {  	s19 =	sld [smem:$0x3FDB];
	_ =	sdelay $0x1  }
0x9f: {  	s5 =	simm.s32 $_scs_section_size  }
0xa0: {  	s6 =	simm.s32 $_size__tile_overlayer_lowered;
	s7 =	simm.s32 $_tile_overlayer_lowered  }
0xa1: {  	s22 =	simm.s32 $0x1BFF;
	s21 =	sshll.u32 s7, $0x1;
	s4 =	sadd.s32 s5, s19  }
0xa2: {  	s8 =	simm.s32 $0x0;
	s20 =	sshll.u32 s6, $0x1;
	s6 =	sadd.s32 s21, s4  }
0xa3: {  	[timem:s8], [sflag:s22] =	dma.local [hbm:s6], s20  }
0xa4: {  	_ =	swait.ge [sflag:s22], s20  }
0xa5: {  	s5 =	ssub.s32 $0x0, s20;
	[sflag:s22] =	ssyncset.done $0x0  }
0xa6: {  	[sflag:s22] =	ssyncadd.s32 s5;
	_ =	sdelay $0x1  }
0xa7: {  	s23 =	simm.s32 $0x1B8B  }
0xa8: {  	_ =	swait.ge [sflag:s23], $0x1  }
0xa9: {  	[sflag:s23] =	ssyncset.done $0x0  }
0xaa: {  	s25 =	simm.s32 $0x1B8E;
	s24 =	sld [smem:$0x3FFE];
	[sflag:s23] =	ssyncadd.s32 $0xFFFFFFFF  }
0xab: {  	s26 =	simm.s32 $execute0_lowered;
	[smem:$0x3FD2] =	sst s25  }
0xac: {  	s6 =	sshll.u32 s26, $0x1;
	_ =	strace $0x80000046;
	[dreg:$0x1] =	wrdreg $0xFFFFFFFF  }
0xad: {  	s28 =	simm.s32 $_size_execute0_lowered;
	s4 =	sadd.s32 s4, s6;
	[dreg:$0x0] =	wrdreg $0x0  }
0xae: {  	s6 =	sshll.u32 s28, $0x1;
	[dreg:$0x2] =	wrdreg s4  }
0xaf: {  	[dreg:$0x3] =	wrdreg s6  }
0xb0: {  	[dreg:$0x4] =	wrdreg $0xC0  }
0xb1: {  	_ =	task [dreg:s8], $0x5FFFF  }
0xb2: {  	[dreg:$0x1] =	wrdreg $0xFFFFFFFF  }
0xb3: {  	[dreg:$0x0] =	wrdreg $0x60  }
0xb4: {  	[dreg:$0x2] =	wrdreg s24  }
0xb5: {  	[dreg:$0x3] =	wrdreg s16  }
0xb6: {  	[dreg:$0x4] =	wrdreg s17  }
0xb7: {  	[dreg:$0x5] =	wrdreg $0x9  }
0xb8: {  	_ =	task.clear_ibuf [dreg:s8], $0x6FFFF;
	_ =	strace $0x90000046  }
0xb9: {  	s29 =	simm.s32 $0x9;
	_ =	strace $0x80000048  }
0xba: {  	_ =	swait.ge [sflag:s29], $0x1  }
0xbb: {  	[sflag:s29] =	ssyncadd.s32 $0xFFFFFFFF  }
0xbc: {  	_ =	strace $0x90000048  }
0xbd: {  	_ =	sfence  }
0xbe: {  	s30 =	sld [smem:$0x0];
	_ =	sdelay $0x2  }
0xbf: {  	s31 =	sshll.u32 s1, $0xD;
	s1 =	sshrl.u32 s1, $0x2  }
0xc0: {  	s3 =	sand.u32 $0x4000, s31;
	s1 =	sadd.s32 s1, s30  }
0xc1: {  	s0 =	sor.u32 s3, s0;
	s1 =	sshll.u32 s1, $0x11  }
0xc2: {  	s0 =	sor.u32 s1, s0  }
0xc3: {  	s0 =	sadd.s32 $0x8F2B, s0  }
0xc4: {  	[sflag:s0] =	ssyncadd.remote.s32 $0x1  }
0xc5: {  	_ =	sfence.sel $0xFFFF  }
0xc6: {  	[dreg:$0x0] =	wrdreg $0xFFFFFFFF;
	(pc) =	sbr.abs _section_cstart, $3  }
0xc7: {  	[dreg:$0x1] =	wrdreg $0xFFFFFFFF  }
0xc8: {  	_ =	task.clear_ibuf [dreg:s8], $0x2FFFF;
	_ =	strace $0x9FFFFFFF  }
0xc9: {  	(tm) =	ssettm $0x7FFFFFFF  }
tec
execute0_lowered:
.L_overlay_start_1:
0x0: {  	(tag) =	ssettag $0x1  }
0x1: {  	s3 =	rddreg [dreg:$0x0]  }
0x2: {  	s4 =	rddreg [dreg:$0x1]  }
0x3: {  	s5 =	rddreg [dreg:$0x2]  }
0x4: {  	s0 =	rddreg [dreg:$0x3];
	s6 =	srdreg.scid  }
0x5: {  	s2 =	simm.s32 $0x0;
	s1 =	stileid.u32;
	s9 =	simm.s32 $0x2800  }
0x6: {  	s10 =	simm.s32 $0x0;
	s6 =	sand.u32 $0x1, s6;
	[smem:$0x7FF] =	sst s2  }
0x7: {  	s7 =	sshll.u32 s1, $0xB;
	s8 =	sshll.u32 s6, $0xA;
	s6 =	ssub.s32 $0x2, s6  }
0x8: {  	_ =	strace $0x80000047;
	s7 =	sor.u32 s8, s7;
	s31 =	sshrl.u32 s6, $0x1  }
0x9: {  	s8 =	simm.s32 $0x2000;
	s3 =	sadd.s32 s7, s3;
	s7 =	sshrl.u32 s7, $0x2  }
0xa: {  	s6 =	ssub.s32 s6, s31;
	s3 =	sadd.s32 $0xC00, s3;
	s4 =	sadd.s32 s4, s7  }
0xb: {  	v0 =	vimm.s32 $0x0;
	s5 =	sadd.s32 s5, s7;
	s6 =	smax.u32 s6, $0x1;
	s7 =	simm.s32 $0x1  }
.LBB2_1:
0xc: {  	[tilespmem:s2], [sflag:$0x1] =	stream.linear.gather [hbm4b:s3+s2], $0x2000, $0x38;
	[tilespmem:$0x3000] =	vst v63  }
0xd: {  	_ =	swait.ge [sflag:s7], $0x2000  }
0xe: {  	[sflag:s7] =	ssyncset.done $0x0  }
0xf: {  	s11 =	simm.s32 $0x0;
	s12 =	simm.s32 $0x0;
	[sflag:s7] =	ssyncadd.s32 $0xFFFFE000  }
.LBB2_2:
0x10: {  	s13 =	sshll.u32 s12, $0x9  }
0x11: {  	s15 =	sand.u32 $0x40, s11;
	s14 =	sand.u32 $0x3FFFFC00, s13  }
0x12: {  	s13 =	sor.u32 s15, s14  }
0x13: {  	v3 =	vld [tilespmem:s13+$0x0]  }
0x14: {  	v4 =	vld [tilespmem:s13+$0x80]  }
0x15: {  	v5 =	vld [tilespmem:s13+$0x100]  }
0x16: {  	v6 =	vld [tilespmem:s13+$0x180]  }
0x17: {  	v7 =	vld [tilespmem:s13+$0x200]  }
0x18: {  	v8 =	vld [tilespmem:s13+$0x280]  }
0x19: {  	v2 =	vld [tilespmem:s13+$0x300]  }
0x1a: {  	v1 =	vld [tilespmem:s13+$0x380];
	_ =	sdelay $0x3  }
0x1b: {  	v9 =	vmax.f32 v3, v4  }
0x1c: {  	v10 =	vmax.f32 v5, v6;
	v11 =	vmax.f32 v7, v8;
	v12 =	vmax.f32 v2, v1  }
0x1d: {  	v9 =	vmax.f32 v9, v10;
	v28 =	vmax.f32 v11, v12  }
0x1e: {  	v9 =	vmax.f32 v9, v28  }
0x1f: {  	v10 =	vsub.f32 v3, v9  }
0x20: {  	v29 =	vsub.f32 v4, v9  }
0x21: {  	v30 =	vsub.f32 v5, v9;
	v10 =	vmul.f32 $1.442695020e+00, v10  }
0x22: {  	v13 =	vsub.f32 v6, v9;
	v11 =	vmul.f32 $1.442695020e+00, v29  }
0x23: {  	v32 =	vsub.f32 v7, v9;
	v31 =	vmul.f32 $1.442695020e+00, v30;
	(erf) = vpow2.f32 v10  }
0x24: {  	v34 =	vsub.f32 v8, v9;
	v33 =	vmul.f32 $1.442695020e+00, v13;
	(erf) = vpow2.f32 v11  }
0x25: {  	v36 =	vsub.f32 v2, v9;
	v35 =	vmul.f32 $1.442695020e+00, v32;
	(erf) = vpow2.f32 v31  }
0x26: {  	v9 =	vsub.f32 v1, v9;
	v37 =	vmul.f32 $1.442695020e+00, v34;
	(erf) = vpow2.f32 v33  }
0x27: {  	v38 =	vmul.f32 $1.442695020e+00, v36;
	(erf) = vpow2.f32 v35  }
0x28: {  	v9 =	vmul.f32 $1.442695020e+00, v9;
	(erf) = vpow2.f32 v37  }
0x29: {  	(erf) = vpow2.f32 v38  }
0x2a: {  	(erf) = vpow2.f32 v9;
	_ =	sdelay $0x1  }
0x2b: {  	v39 =	vpop (erf)  }
0x2c: {  	v40 =	vpop (erf)  }
0x2d: {  	v41 =	vpop (erf)  }
0x2e: {  	v42 =	vpop (erf)  }
0x2f: {  	v43 =	vpop (erf)  }
0x30: {  	v14 =	vpop (erf)  }
0x31: {  	v15 =	vpop (erf)  }
0x32: {  	v17 =	vadd.f32 v40, v39;
	v18 =	vadd.f32 v42, v41;
	v16 =	vpop (erf)  }
0x33: {  	v19 =	vadd.f32 v14, v43;
	v20 =	vadd.f32 v16, v15;
	_ =	sdelay $0x1  }
0x34: {  	v17 =	vadd.f32 v18, v17;
	v44 =	vadd.f32 v20, v19;
	_ =	sdelay $0x1  }
0x35: {  	v17 =	vadd.f32 v44, v17;
	_ =	sdelay $0x1  }
0x36: {  	(erf) = vrcp.f32 v17;
	_ =	sdelay $0x8  }
0x37: {  	v17 =	vpop (erf)  }
0x38: {  	v10 =	vmul.f32 v17, v40;
	v9 =	vmul.f32 v17, v39  }
0x39: {  	v11 =	vmul.f32 v17, v41;
	v12 =	vmul.f32 v17, v42  }
0x3a: {  	v13 =	vmul.f32 v17, v43;
	v54 =	vmul.f32 v17, v14  }
0x3b: {  	v56 =	vmul.f32 v17, v15;
	v58 =	vmul.f32 v17, v16  }
0x3c: {  	vm0 =	vlt.f32 v10, $-Inf;
	vm1 =	vgt.f32 v10, $-Inf;
	vm2 =	vgt.f32 v10, v9  }
0x3d: {  	vm0 =	vmor vm1, vm0;
	vm10 =	vmneg vm2;
	v48 =	vsel vm2, $0x1, v0  }
0x3e: {  	v45 =	vnsel vm0, $0xFF800000, v10;
	vm3 =	vmand vm10, vm0;
	v47 =	vnsel vm0, $0xFF800000, v4  }
0x3f: {  	v18 =	vsel vm10, v45, v9;
	v46 =	vsel vm3, $0x1, v0;
	v20 =	vsel vm10, v47, v3  }
0x40: {  	v9 =	vsel vm10, v9, v10;
	v3 =	vsel vm10, v3, v4;
	vm12 =	vgt.f32 v11, v18  }
0x41: {  	vm11 =	vgt.f32 v11, v9;
	v49 =	vsel vm12, v11, v18;
	v50 =	vsel vm12, $0x2, v46  }
0x42: {  	v51 =	vsel vm12, v5, v20;
	v10 =	vsel vm11, $0x2, v48;
	v4 =	vsel vm11, v9, v49  }
0x43: {  	v18 =	vsel vm11, v48, v50;
	v19 =	vsel vm11, v3, v51;
	v9 =	vsel vm11, v11, v9  }
0x44: {  	v3 =	vsel vm11, v5, v3;
	vm13 =	vgt.f32 v12, v4;
	vm14 =	vgt.f32 v12, v9  }
0x45: {  	v4 =	vsel vm13, v12, v4;
	v52 =	vsel vm13, $0x3, v18;
	v53 =	vsel vm13, v6, v19  }
0x46: {  	v4 =	vsel vm14, v9, v4;
	v5 =	vsel vm14, v10, v52;
	v11 =	vsel vm14, v3, v53  }
0x47: {  	v9 =	vsel vm14, v12, v9;
	v10 =	vsel vm14, $0x3, v10;
	vm4 =	vgt.f32 v13, v4  }
0x48: {  	v3 =	vsel vm14, v6, v3;
	vm15 =	vgt.f32 v13, v9;
	v4 =	vsel vm4, v13, v4  }
0x49: {  	v5 =	vsel vm4, $0x4, v5;
	v11 =	vsel vm4, v7, v11;
	v4 =	vsel vm15, v9, v4  }
0x4a: {  	v5 =	vsel vm15, v10, v5;
	v11 =	vsel vm15, v3, v11;
	v9 =	vsel vm15, v13, v9  }
0x4b: {  	v10 =	vsel vm15, $0x4, v10;
	v3 =	vsel vm15, v7, v3;
	vm5 =	vgt.f32 v54, v4  }
0x4c: {  	vm6 =	vgt.f32 v54, v9;
	v4 =	vsel vm5, v54, v4;
	v5 =	vsel vm5, $0x5, v5  }
0x4d: {  	v55 =	vsel vm5, v8, v11;
	v6 =	vsel vm6, v54, v9;
	v57 =	vsel vm6, $0x5, v10  }
0x4e: {  	v4 =	vsel vm6, v9, v4;
	v5 =	vsel vm6, v10, v5;
	v7 =	vsel vm6, v3, v55  }
0x4f: {  	v3 =	vsel vm6, v8, v3;
	vm7 =	vgt.f32 v56, v6;
	vm8 =	vgt.f32 v56, v4  }
0x50: {  	v9 =	vsel vm7, $0x6, v57;
	v4 =	vsel vm8, v56, v4;
	v5 =	vsel vm8, $0x6, v5  }
0x51: {  	s26 =	sshll.u32 s12, $0x7;
	v59 =	vsel vm8, v2, v7;
	v4 =	vsel vm7, v6, v4;
	v6 =	vsel vm7, v56, v6  }
0x52: {  	s13 =	sand.u32 $0xFFFFFF00, s26;
	v2 =	vsel vm7, v2, v3;
	v5 =	vsel vm7, v57, v5;
	vm9 =	vgt.f32 v58, v6  }
0x53: {  	s17 =	sor.u32 s15, s13;
	vm10 =	vgt.f32 v58, v4;
	v4 =	vsel vm7, v3, v59;
	v6 =	vsel vm9, $0x7, v9  }
0x54: {  	v5 =	vsel vm10, $0x7, v5;
	v4 =	vsel vm10, v1, v4;
	v1 =	vsel vm9, v1, v2;
	[tilespmem:s17+$0x2000] =	vst v6  }
0x55: {  	v3 =	vsel vm9, v9, v5;
	[tilespmem:s17+$0x2800] =	vst v1  }
0x56: {  	s16 =	sor.u32 $0x10, s15;
	v2 =	vsel vm9, v2, v4;
	[tilespmem:s17+$0x2080] =	vst v3  }
0x57: {  	s28 =	sor.u32 s16, s14;
	[tilespmem:s17+$0x2880] =	vst v2  }
0x58: {  	v3 =	vld [tilespmem:s28+$0x0]  }
0x59: {  	v60 =	vld [tilespmem:s28+$0x80]  }
0x5a: {  	v61 =	vld [tilespmem:s28+$0x100]  }
0x5b: {  	v6 =	vld [tilespmem:s28+$0x180]  }
0x5c: {  	v62 =	vld [tilespmem:s28+$0x200]  }
0x5d: {  	v63 =	vld [tilespmem:s28+$0x280]  }
0x5e: {  	v2 =	vld [tilespmem:s28+$0x300]  }
0x5f: {  	v1 =	vld [tilespmem:s28+$0x380];
	_ =	sdelay $0x3  }
0x60: {  	v16 =	vmax.f32 v3, v60  }
0x61: {  	v17 =	vmax.f32 v61, v6;
	v18 =	vmax.f32 v62, v63;
	v19 =	vmax.f32 v2, v1  }
0x62: {  	v9 =	vmax.f32 v16, v17;
	v20 =	vmax.f32 v18, v19  }
0x63: {  	v9 =	vmax.f32 v9, v20  }
0x64: {  	v10 =	vsub.f32 v3, v9  }
0x65: {  	v21 =	vsub.f32 v60, v9  }
0x66: {  	v22 =	vsub.f32 v61, v9;
	v10 =	vmul.f32 $1.442695020e+00, v10  }
0x67: {  	v23 =	vsub.f32 v6, v9;
	v11 =	vmul.f32 $1.442695020e+00, v21  }
0x68: {  	v25 =	vsub.f32 v62, v9;
	v24 =	vmul.f32 $1.442695020e+00, v22;
	(erf) = vpow2.f32 v10  }
0x69: {  	v27 =	vsub.f32 v63, v9;
	v26 =	vmul.f32 $1.442695020e+00, v23;
	(erf) = vpow2.f32 v11  }
0x6a: {  	v29 =	vsub.f32 v2, v9;
	v28 =	vmul.f32 $1.442695020e+00, v25;
	(erf) = vpow2.f32 v24  }
0x6b: {  	v9 =	vsub.f32 v1, v9;
	v30 =	vmul.f32 $1.442695020e+00, v27;
	(erf) = vpow2.f32 v26  }
0x6c: {  	v31 =	vmul.f32 $1.442695020e+00, v29;
	(erf) = vpow2.f32 v28  }
0x6d: {  	v9 =	vmul.f32 $1.442695020e+00, v9;
	(erf) = vpow2.f32 v30  }
0x6e: {  	(erf) = vpow2.f32 v31  }
0x6f: {  	(erf) = vpow2.f32 v9;
	_ =	sdelay $0x1  }
0x70: {  	v32 =	vpop (erf)  }
0x71: {  	v33 =	vpop (erf)  }
0x72: {  	v34 =	vpop (erf)  }
0x73: {  	v35 =	vpop (erf)  }
0x74: {  	v36 =	vpop (erf)  }
0x75: {  	v37 =	vpop (erf)  }
0x76: {  	v38 =	vpop (erf)  }
0x77: {  	v40 =	vadd.f32 v33, v32;
	v41 =	vadd.f32 v35, v34;
	v39 =	vpop (erf)  }
0x78: {  	v42 =	vadd.f32 v37, v36;
	v43 =	vadd.f32 v39, v38;
	_ =	sdelay $0x1  }
0x79: {  	v17 =	vadd.f32 v41, v40;
	v44 =	vadd.f32 v43, v42;
	_ =	sdelay $0x1  }
0x7a: {  	v17 =	vadd.f32 v44, v17;
	_ =	sdelay $0x1  }
0x7b: {  	(erf) = vrcp.f32 v17;
	_ =	sdelay $0x8  }
0x7c: {  	v17 =	vpop (erf)  }
0x7d: {  	v10 =	vmul.f32 v17, v33;
	v9 =	vmul.f32 v17, v32  }
0x7e: {  	v11 =	vmul.f32 v17, v34;
	v12 =	vmul.f32 v17, v35  }
0x7f: {  	v13 =	vmul.f32 v17, v36;
	v54 =	vmul.f32 v17, v37  }
0x80: {  	v56 =	vmul.f32 v17, v38;
	v58 =	vmul.f32 v17, v39  }
0x81: {  	vm11 =	vlt.f32 v10, $-Inf;
	vm12 =	vgt.f32 v10, $-Inf;
	vm13 =	vgt.f32 v10, v9  }
0x82: {  	vm0 =	vmor vm12, vm11;
	vm14 =	vmneg vm13;
	v48 =	vsel vm13, $0x1, v0  }
0x83: {  	v45 =	vnsel vm0, $0xFF800000, v10;
	vm15 =	vmand vm14, vm0;
	v47 =	vnsel vm0, $0xFF800000, v60  }
0x84: {  	v18 =	vsel vm14, v45, v9;
	v46 =	vsel vm15, $0x1, v0;
	v20 =	vsel vm14, v47, v3  }
0x85: {  	v9 =	vsel vm14, v9, v10;
	v3 =	vsel vm14, v3, v60;
	vm5 =	vgt.f32 v11, v18  }
0x86: {  	vm4 =	vgt.f32 v11, v9;
	v49 =	vsel vm5, v11, v18;
	v50 =	vsel vm5, $0x2, v46  }
0x87: {  	v51 =	vsel vm5, v61, v20;
	v10 =	vsel vm4, $0x2, v48;
	v4 =	vsel vm4, v9, v49  }
0x88: {  	v18 =	vsel vm4, v48, v50;
	v19 =	vsel vm4, v3, v51;
	v9 =	vsel vm4, v11, v9  }
0x89: {  	v3 =	vsel vm4, v61, v3;
	vm6 =	vgt.f32 v12, v4;
	vm7 =	vgt.f32 v12, v9  }
0x8a: {  	v4 =	vsel vm6, v12, v4;
	v52 =	vsel vm6, $0x3, v18;
	v53 =	vsel vm6, v6, v19  }
0x8b: {  	v4 =	vsel vm7, v9, v4;
	v5 =	vsel vm7, v10, v52;
	v11 =	vsel vm7, v3, v53  }
0x8c: {  	v9 =	vsel vm7, v12, v9;
	v10 =	vsel vm7, $0x3, v10;
	vm9 =	vgt.f32 v13, v4  }
0x8d: {  	v3 =	vsel vm7, v6, v3;
	vm8 =	vgt.f32 v13, v9;
	v4 =	vsel vm9, v13, v4  }
0x8e: {  	v5 =	vsel vm9, $0x4, v5;
	v11 =	vsel vm9, v62, v11;
	v4 =	vsel vm8, v9, v4  }
0x8f: {  	v5 =	vsel vm8, v10, v5;
	v11 =	vsel vm8, v3, v11;
	v9 =	vsel vm8, v13, v9  }
0x90: {  	v10 =	vsel vm8, $0x4, v10;
	v3 =	vsel vm8, v62, v3;
	vm10 =	vgt.f32 v54, v4  }
0x91: {  	vm11 =	vgt.f32 v54, v9;
	v4 =	vsel vm10, v54, v4;
	v5 =	vsel vm10, $0x5, v5  }
0x92: {  	v55 =	vsel vm10, v63, v11;
	v6 =	vsel vm11, v54, v9;
	v57 =	vsel vm11, $0x5, v10  }
0x93: {  	v4 =	vsel vm11, v9, v4;
	v5 =	vsel vm11, v10, v5;
	v7 =	vsel vm11, v3, v55  }
0x94: {  	v3 =	vsel vm11, v63, v3;
	vm12 =	vgt.f32 v56, v6;
	vm13 =	vgt.f32 v56, v4  }
0x95: {  	v9 =	vsel vm12, $0x6, v57;
	v4 =	vsel vm13, v56, v4;
	v5 =	vsel vm13, $0x6, v5  }
0x96: {  	v59 =	vsel vm13, v2, v7;
	v4 =	vsel vm12, v6, v4;
	v6 =	vsel vm12, v56, v6  }
0x97: {  	v2 =	vsel vm12, v2, v3;
	v5 =	vsel vm12, v57, v5;
	vm14 =	vgt.f32 v58, v6  }
0x98: {  	s29 =	sor.u32 s13, s16;
	vm15 =	vgt.f32 v58, v4;
	v4 =	vsel vm12, v3, v59;
	v6 =	vsel vm14, $0x7, v9  }
0x99: {  	v5 =	vsel vm15, $0x7, v5;
	v4 =	vsel vm15, v1, v4;
	v1 =	vsel vm14, v1, v2;
	[tilespmem:s29+$0x2000] =	vst v6  }
0x9a: {  	v3 =	vsel vm14, v9, v5;
	[tilespmem:s29+$0x2800] =	vst v1  }
0x9b: {  	s30 =	sor.u32 $0x20, s15;
	v2 =	vsel vm14, v2, v4;
	[tilespmem:s29+$0x2080] =	vst v3  }
0x9c: {  	s31 =	sor.u32 s30, s14;
	[tilespmem:s29+$0x2880] =	vst v2  }
0x9d: {  	v3 =	vld [tilespmem:s31+$0x0]  }
0x9e: {  	v60 =	vld [tilespmem:s31+$0x80]  }
0x9f: {  	v61 =	vld [tilespmem:s31+$0x100]  }
0xa0: {  	v6 =	vld [tilespmem:s31+$0x180]  }
0xa1: {  	v62 =	vld [tilespmem:s31+$0x200]  }
0xa2: {  	v63 =	vld [tilespmem:s31+$0x280]  }
0xa3: {  	v2 =	vld [tilespmem:s31+$0x300]  }
0xa4: {  	v1 =	vld [tilespmem:s31+$0x380];
	_ =	sdelay $0x3  }
0xa5: {  	v16 =	vmax.f32 v3, v60  }
0xa6: {  	v17 =	vmax.f32 v61, v6;
	v18 =	vmax.f32 v62, v63;
	v19 =	vmax.f32 v2, v1  }
0xa7: {  	v9 =	vmax.f32 v16, v17;
	v20 =	vmax.f32 v18, v19  }
0xa8: {  	v9 =	vmax.f32 v9, v20  }
0xa9: {  	v10 =	vsub.f32 v3, v9  }
0xaa: {  	v21 =	vsub.f32 v60, v9  }
0xab: {  	v22 =	vsub.f32 v61, v9;
	v10 =	vmul.f32 $1.442695020e+00, v10  }
0xac: {  	v23 =	vsub.f32 v6, v9;
	v11 =	vmul.f32 $1.442695020e+00, v21  }
0xad: {  	v25 =	vsub.f32 v62, v9;
	v24 =	vmul.f32 $1.442695020e+00, v22;
	(erf) = vpow2.f32 v10  }
0xae: {  	v27 =	vsub.f32 v63, v9;
	v26 =	vmul.f32 $1.442695020e+00, v23;
	(erf) = vpow2.f32 v11  }
0xaf: {  	v29 =	vsub.f32 v2, v9;
	v28 =	vmul.f32 $1.442695020e+00, v25;
	(erf) = vpow2.f32 v24  }
0xb0: {  	v9 =	vsub.f32 v1, v9;
	v30 =	vmul.f32 $1.442695020e+00, v27;
	(erf) = vpow2.f32 v26  }
0xb1: {  	v31 =	vmul.f32 $1.442695020e+00, v29;
	(erf) = vpow2.f32 v28  }
0xb2: {  	v9 =	vmul.f32 $1.442695020e+00, v9;
	(erf) = vpow2.f32 v30  }
0xb3: {  	(erf) = vpow2.f32 v31  }
0xb4: {  	(erf) = vpow2.f32 v9;
	_ =	sdelay $0x1  }
0xb5: {  	v32 =	vpop (erf)  }
0xb6: {  	v33 =	vpop (erf)  }
0xb7: {  	v34 =	vpop (erf)  }
0xb8: {  	v35 =	vpop (erf)  }
0xb9: {  	v36 =	vpop (erf)  }
0xba: {  	v37 =	vpop (erf)  }
0xbb: {  	v38 =	vpop (erf)  }
0xbc: {  	v40 =	vadd.f32 v33, v32;
	v41 =	vadd.f32 v35, v34;
	v39 =	vpop (erf)  }
0xbd: {  	v42 =	vadd.f32 v37, v36;
	v43 =	vadd.f32 v39, v38;
	_ =	sdelay $0x1  }
0xbe: {  	v17 =	vadd.f32 v41, v40;
	v44 =	vadd.f32 v43, v42;
	_ =	sdelay $0x1  }
0xbf: {  	v17 =	vadd.f32 v44, v17;
	_ =	sdelay $0x1  }
0xc0: {  	(erf) = vrcp.f32 v17;
	_ =	sdelay $0x8  }
0xc1: {  	v17 =	vpop (erf)  }
0xc2: {  	v10 =	vmul.f32 v17, v33;
	v9 =	vmul.f32 v17, v32  }
0xc3: {  	v11 =	vmul.f32 v17, v34;
	v12 =	vmul.f32 v17, v35  }
0xc4: {  	v13 =	vmul.f32 v17, v36;
	v54 =	vmul.f32 v17, v37  }
0xc5: {  	v56 =	vmul.f32 v17, v38;
	v58 =	vmul.f32 v17, v39  }
0xc6: {  	vm6 =	vlt.f32 v10, $-Inf;
	vm7 =	vgt.f32 v10, $-Inf;
	vm8 =	vgt.f32 v10, v9  }
0xc7: {  	vm0 =	vmor vm7, vm6;
	vm9 =	vmneg vm8;
	v48 =	vsel vm8, $0x1, v0  }
0xc8: {  	v45 =	vnsel vm0, $0xFF800000, v10;
	vm10 =	vmand vm9, vm0;
	v47 =	vnsel vm0, $0xFF800000, v60  }
0xc9: {  	v18 =	vsel vm9, v45, v9;
	v46 =	vsel vm10, $0x1, v0;
	v20 =	vsel vm9, v47, v3  }
0xca: {  	v9 =	vsel vm9, v9, v10;
	v3 =	vsel vm9, v3, v60;
	vm12 =	vgt.f32 v11, v18  }
0xcb: {  	vm11 =	vgt.f32 v11, v9;
	v49 =	vsel vm12, v11, v18;
	v50 =	vsel vm12, $0x2, v46  }
0xcc: {  	v51 =	vsel vm12, v61, v20;
	v10 =	vsel vm11, $0x2, v48;
	v4 =	vsel vm11, v9, v49  }
0xcd: {  	v18 =	vsel vm11, v48, v50;
	v19 =	vsel vm11, v3, v51;
	v9 =	vsel vm11, v11, v9  }
0xce: {  	v3 =	vsel vm11, v61, v3;
	vm13 =	vgt.f32 v12, v4;
	vm14 =	vgt.f32 v12, v9  }
0xcf: {  	v4 =	vsel vm13, v12, v4;
	v52 =	vsel vm13, $0x3, v18;
	v53 =	vsel vm13, v6, v19  }
0xd0: {  	v4 =	vsel vm14, v9, v4;
	v5 =	vsel vm14, v10, v52;
	v11 =	vsel vm14, v3, v53  }
0xd1: {  	v9 =	vsel vm14, v12, v9;
	v10 =	vsel vm14, $0x3, v10;
	vm4 =	vgt.f32 v13, v4  }
0xd2: {  	v3 =	vsel vm14, v6, v3;
	vm15 =	vgt.f32 v13, v9;
	v4 =	vsel vm4, v13, v4  }
0xd3: {  	v5 =	vsel vm4, $0x4, v5;
	v11 =	vsel vm4, v62, v11;
	v4 =	vsel vm15, v9, v4  }
0xd4: {  	v5 =	vsel vm15, v10, v5;
	v11 =	vsel vm15, v3, v11;
	v9 =	vsel vm15, v13, v9  }
0xd5: {  	v10 =	vsel vm15, $0x4, v10;
	v3 =	vsel vm15, v62, v3;
	vm5 =	vgt.f32 v54, v4  }
0xd6: {  	vm6 =	vgt.f32 v54, v9;
	v4 =	vsel vm5, v54, v4;
	v5 =	vsel vm5, $0x5, v5  }
0xd7: {  	v55 =	vsel vm5, v63, v11;
	v6 =	vsel vm6, v54, v9;
	v57 =	vsel vm6, $0x5, v10  }
0xd8: {  	v4 =	vsel vm6, v9, v4;
	v5 =	vsel vm6, v10, v5;
	v7 =	vsel vm6, v3, v55  }
0xd9: {  	v3 =	vsel vm6, v63, v3;
	vm7 =	vgt.f32 v56, v6;
	vm8 =	vgt.f32 v56, v4  }
0xda: {  	v9 =	vsel vm7, $0x6, v57;
	v4 =	vsel vm8, v56, v4;
	v5 =	vsel vm8, $0x6, v5  }
0xdb: {  	v59 =	vsel vm8, v2, v7;
	v4 =	vsel vm7, v6, v4;
	v6 =	vsel vm7, v56, v6  }
0xdc: {  	v2 =	vsel vm7, v2, v3;
	v5 =	vsel vm7, v57, v5;
	vm9 =	vgt.f32 v58, v6  }
0xdd: {  	s16 =	sor.u32 s13, s30;
	vm10 =	vgt.f32 v58, v4;
	v4 =	vsel vm7, v3, v59;
	v6 =	vsel vm9, $0x7, v9  }
0xde: {  	v5 =	vsel vm10, $0x7, v5;
	v4 =	vsel vm10, v1, v4;
	v1 =	vsel vm9, v1, v2;
	[tilespmem:s16+$0x2000] =	vst v6  }
0xdf: {  	v3 =	vsel vm9, v9, v5;
	[tilespmem:s16+$0x2800] =	vst v1  }
0xe0: {  	s15 =	sor.u32 $0x30, s15;
	v2 =	vsel vm9, v2, v4;
	[tilespmem:s16+$0x2080] =	vst v3  }
0xe1: {  	s14 =	sor.u32 s15, s14;
	[tilespmem:s16+$0x2880] =	vst v2  }
0xe2: {  	v3 =	vld [tilespmem:s14+$0x0]  }
0xe3: {  	v60 =	vld [tilespmem:s14+$0x80]  }
0xe4: {  	v61 =	vld [tilespmem:s14+$0x100]  }
0xe5: {  	v6 =	vld [tilespmem:s14+$0x180]  }
0xe6: {  	v62 =	vld [tilespmem:s14+$0x200]  }
0xe7: {  	v63 =	vld [tilespmem:s14+$0x280]  }
0xe8: {  	v2 =	vld [tilespmem:s14+$0x300]  }
0xe9: {  	v1 =	vld [tilespmem:s14+$0x380];
	_ =	sdelay $0x3  }
0xea: {  	v20 =	vmax.f32 v3, v60  }
0xeb: {  	v21 =	vmax.f32 v61, v6;
	v22 =	vmax.f32 v62, v63;
	v23 =	vmax.f32 v2, v1  }
0xec: {  	v9 =	vmax.f32 v20, v21;
	v24 =	vmax.f32 v22, v23  }
0xed: {  	v9 =	vmax.f32 v9, v24  }
0xee: {  	v10 =	vsub.f32 v3, v9  }
0xef: {  	v25 =	vsub.f32 v60, v9  }
0xf0: {  	v26 =	vsub.f32 v61, v9;
	v10 =	vmul.f32 $1.442695020e+00, v10  }
0xf1: {  	v27 =	vsub.f32 v6, v9;
	v11 =	vmul.f32 $1.442695020e+00, v25  }
0xf2: {  	v29 =	vsub.f32 v62, v9;
	v28 =	vmul.f32 $1.442695020e+00, v26;
	(erf) = vpow2.f32 v10  }
0xf3: {  	v31 =	vsub.f32 v63, v9;
	v30 =	vmul.f32 $1.442695020e+00, v27;
	(erf) = vpow2.f32 v11  }
0xf4: {  	v33 =	vsub.f32 v2, v9;
	v32 =	vmul.f32 $1.442695020e+00, v29;
	(erf) = vpow2.f32 v28  }
0xf5: {  	v9 =	vsub.f32 v1, v9;
	v34 =	vmul.f32 $1.442695020e+00, v31;
	(erf) = vpow2.f32 v30  }
0xf6: {  	v35 =	vmul.f32 $1.442695020e+00, v33;
	(erf) = vpow2.f32 v32  }
0xf7: {  	v9 =	vmul.f32 $1.442695020e+00, v9;
	(erf) = vpow2.f32 v34  }
0xf8: {  	(erf) = vpow2.f32 v35  }
0xf9: {  	(erf) = vpow2.f32 v9;
	_ =	sdelay $0x1  }
0xfa: {  	v36 =	vpop (erf)  }
0xfb: {  	v37 =	vpop (erf)  }
0xfc: {  	v38 =	vpop (erf)  }
0xfd: {  	v39 =	vpop (erf)  }
0xfe: {  	v40 =	vpop (erf)  }
0xff: {  	v41 =	vpop (erf)  }
0x100: {  	v42 =	vpop (erf)  }
0x101: {  	v44 =	vadd.f32 v37, v36;
	v45 =	vadd.f32 v39, v38;
	v43 =	vpop (erf)  }
0x102: {  	v46 =	vadd.f32 v41, v40;
	v47 =	vadd.f32 v43, v42;
	_ =	sdelay $0x1  }
0x103: {  	v17 =	vadd.f32 v45, v44;
	v48 =	vadd.f32 v47, v46;
	_ =	sdelay $0x1  }
0x104: {  	v17 =	vadd.f32 v48, v17;
	_ =	sdelay $0x1  }
0x105: {  	(erf) = vrcp.f32 v17;
	_ =	sdelay $0x8  }
0x106: {  	v17 =	vpop (erf)  }
0x107: {  	v10 =	vmul.f32 v17, v37  }
0x108: {  	v9 =	vmul.f32 v17, v36;
	v11 =	vmul.f32 v17, v38  }
0x109: {  	v12 =	vmul.f32 v17, v39;
	v13 =	vmul.f32 v17, v40  }
0x10a: {  	vm11 =	vlt.f32 v10, $-Inf;
	vm12 =	vgt.f32 v10, $-Inf;
	vm13 =	vgt.f32 v10, v9  }
0x10b: {  	v58 =	vmul.f32 v17, v41;
	vm0 =	vmor vm12, vm11;
	vm14 =	vmneg vm13  }
0x10c: {  	v52 =	vsel vm13, $0x1, v0;
	v49 =	vnsel vm0, $0xFF800000, v10;
	vm15 =	vmand vm14, vm0  }
0x10d: {  	v51 =	vnsel vm0, $0xFF800000, v60;
	v18 =	vsel vm14, v49, v9;
	v50 =	vsel vm15, $0x1, v0  }
0x10e: {  	v20 =	vsel vm14, v51, v3;
	v9 =	vsel vm14, v9, v10;
	v3 =	vsel vm14, v3, v60  }
0x10f: {  	v60 =	vmul.f32 v17, v42;
	vm4 =	vgt.f32 v11, v9;
	vm5 =	vgt.f32 v11, v18  }
0x110: {  	v53 =	vsel vm5, v11, v18;
	v54 =	vsel vm5, $0x2, v50;
	v55 =	vsel vm5, v61, v20  }
0x111: {  	v10 =	vsel vm4, $0x2, v52;
	v4 =	vsel vm4, v9, v53;
	v18 =	vsel vm4, v52, v54  }
0x112: {  	v19 =	vsel vm4, v3, v55;
	v9 =	vsel vm4, v11, v9;
	vm6 =	vgt.f32 v12, v4  }
0x113: {  	v3 =	vsel vm4, v61, v3;
	vm7 =	vgt.f32 v12, v9;
	v4 =	vsel vm6, v12, v4  }
0x114: {  	v56 =	vsel vm6, $0x3, v18;
	v57 =	vsel vm6, v6, v19;
	v4 =	vsel vm7, v9, v4  }
0x115: {  	v5 =	vsel vm7, v10, v56;
	v11 =	vsel vm7, v3, v57;
	v9 =	vsel vm7, v12, v9  }
0x116: {  	v10 =	vsel vm7, $0x3, v10;
	v3 =	vsel vm7, v6, v3;
	vm9 =	vgt.f32 v13, v4  }
0x117: {  	vm8 =	vgt.f32 v13, v9;
	v4 =	vsel vm9, v13, v4;
	v5 =	vsel vm9, $0x4, v5  }
0x118: {  	v11 =	vsel vm9, v62, v11;
	v4 =	vsel vm8, v9, v4;
	v5 =	vsel vm8, v10, v5  }
0x119: {  	v11 =	vsel vm8, v3, v11;
	v9 =	vsel vm8, v13, v9;
	v10 =	vsel vm8, $0x4, v10  }
0x11a: {  	v3 =	vsel vm8, v62, v3;
	v62 =	vmul.f32 v17, v43;
	vm10 =	vgt.f32 v58, v4  }
0x11b: {  	vm11 =	vgt.f32 v58, v9;
	v4 =	vsel vm10, v58, v4;
	v5 =	vsel vm10, $0x5, v5  }
0x11c: {  	v59 =	vsel vm10, v63, v11;
	v6 =	vsel vm11, v58, v9;
	v61 =	vsel vm11, $0x5, v10  }
0x11d: {  	v4 =	vsel vm11, v9, v4;
	v5 =	vsel vm11, v10, v5;
	v7 =	vsel vm11, v3, v59  }
0x11e: {  	v3 =	vsel vm11, v63, v3;
	vm12 =	vgt.f32 v60, v6;
	vm13 =	vgt.f32 v60, v4  }
0x11f: {  	v9 =	vsel vm12, $0x6, v61;
	v4 =	vsel vm13, v60, v4;
	v5 =	vsel vm13, $0x6, v5  }
0x120: {  	v63 =	vsel vm13, v2, v7;
	v4 =	vsel vm12, v6, v4;
	v6 =	vsel vm12, v60, v6  }
0x121: {  	p0 =	sne.s32 s12, $0xF;
	v2 =	vsel vm12, v2, v3;
	v5 =	vsel vm12, v61, v5;
	vm14 =	vgt.f32 v62, v6  }
.Ltmp0:
0x122: {  	s13 =	sor.u32 s13, s15;
	vm15 =	vgt.f32 v62, v4;
	v4 =	vsel vm12, v3, v63;
	v6 =	vsel vm14, $0x7, v9;
	(pc) =	sbr.rel @p0 .LBB2_2-.Ltmp0, $4  }
0x123: {  	v5 =	vsel vm15, $0x7, v5;
	v4 =	vsel vm15, v1, v4;
	v1 =	vsel vm14, v1, v2;
	[tilespmem:s13+$0x2000] =	vst v6  }
0x124: {  	v3 =	vsel vm14, v9, v5;
	[tilespmem:s13+$0x2800] =	vst v1  }
0x125: {  	v2 =	vsel vm14, v2, v4;
	[tilespmem:s13+$0x2080] =	vst v3  }
0x126: {  	s11 =	sadd.s32 $0x40, s11;
	s12 =	sadd.s32 $0x1, s12;
	[tilespmem:s13+$0x2880] =	vst v2  }
0x127: {  	[hbm4b:s4+s2] =	stream.linear.scatter [tilespmem:s8], [sflag:$0x1], $0x800, $0x38;
	[tilespmem:$0x3000] =	vst v63  }
0x128: {  	s10 =	sadd.s32 $0x1, s10;
	_ =	swait.ge [sflag:s7], $0x800  }
0x129: {  	p0 =	sne.s32 s10, s6;
	[sflag:s7] =	ssyncset.done $0x0  }
.Ltmp1:
0x12a: {  	[sflag:s7] =	ssyncadd.s32 $0xFFFFF800;
	(pc) =	sbr.rel @p0 .LBB2_1-.Ltmp1, $4  }
0x12b: {  	[hbm4b:s5+s2] =	stream.linear.scatter [tilespmem:s9], [sflag:$0x1], $0x800, $0x38;
	[tilespmem:$0x3000] =	vst v63  }
0x12c: {  	_ =	swait.ge [sflag:s7], $0x800  }
0x12d: {  	[sflag:s7] =	ssyncset.done $0x0  }
0x12e: {  	[sflag:s7] =	ssyncadd.s32 $0xFFFFF800  }
0x12f: {  	_ =	sfence.sel $0x180000  }
0x130: {  	[bflag:$0x0] =	sbarrier.arrive $0xFFFF  }
0x131: {  	p0 =	sne.s32 s1, $0x0;
	_ =	strace $0x90000047  }
0x132: {  	s0 =	sadd.s32 @!p0 $0x100000, s0;
	[bflag:$0x2] =	sbarrier.arrive $0xFFFF  }
0x133: {  	[sflag:s0] =	ssyncadd.tile.s32 @!p0 $0x1;
	_ =	shalt  }
.Lfunc_end2:
_tile_overlayer_lowered:
.L_overlay_start_2:
0x134: {  	(tag) =	ssettag $0x2  }
0x135: {  	s0 =	rddreg [dreg:$0x0];
	s2 =	stileid.u32  }
0x136: {  	s1 =	rddreg [dreg:$0x1];
	p0 =	sne.s32 s2, $0x0  }
0x137: {  	s3 =	rddreg [dreg:$0x2];
	[bflag:$0x3] =	sbarrier.arrive $0xFFFF;
	s2 =	simm.s32 @!p0 $0x1C01  }
0x138: {  	[timem:s3], [sflag:s2] =	dma.local @!p0 [hbm:s0], s1  }
0x139: {  	s0 =	simm.s32 @!p0 $0x1  }
0x13a: {  	_ =	swait.ge @!p0 [sflag:s0], s1  }
0x13b: {  	s1 =	ssub.s32 @!p0 $0x0, s1;
	[sflag:s0] =	ssyncset.done @!p0 $0x0  }
0x13c: {  	[sflag:s0] =	ssyncadd.s32 @!p0 s1  }
0x13d: {  	[bflag:$0x3] =	sbarrier.arrive $0xFFFF  }
0x13e: {  	_ =	shalt  }

</sc_bundles>
